<compile_context>
chip_gen: v7x
topology: tpu7x:2x2x1
jax: 0.10.2.dev20260603
libtpu: 0.0.44.dev20260713+nightly
codegen_flags: <defaults>
</compile_context>

<pallas_src>
import functools

import jax
import jax.numpy as jnp
from jax import lax
from jax.experimental import pallas as pl
from jax.experimental.pallas import tpu as pltpu
from jax.experimental.pallas import tpu_sc as plsc

INPUT_SIZE = 64
BATCH = 16384
LANES = 16
VOCAB = 1000000
PAD_MINOR = ((VOCAB + 127) // 128) * 128

_info = plsc.get_sparse_core_info()
NC = _info.num_cores
NS = _info.num_subcores
NW = NC * NS

WIN = 512
SEG = 2048
CREDITS = 32
MCHUNK = 128

LOS = [(w * (VOCAB // NW) // 128) * 128 for w in range(NW)] + [VOCAB]
NWIN = max((LOS[w + 1] - LOS[w] + WIN - 1) // WIN for w in range(NW)) + 1

_mesh = plsc.VectorSubcoreMesh(core_axis_name="c", subcore_axis_name="s")


@functools.partial(
    pl.kernel,
    mesh=_mesh,
    compiler_params=pltpu.CompilerParams(needs_layout_passes=False),
    out_type=(
        jax.ShapeDtypeStruct((BATCH * INPUT_SIZE,), jnp.float32),
        jax.ShapeDtypeStruct((INPUT_SIZE,), jnp.float32),
    ),
    scratch_types=[
        pltpu.VMEM((128,), jnp.int32),
        pltpu.VMEM((SEG,), jnp.int32),
        pltpu.VMEM((SEG,), jnp.int32),
        pltpu.VMEM((SEG,), jnp.int32),
        pltpu.VMEM((2, INPUT_SIZE, WIN), jnp.float32),
        pltpu.VMEM((CREDITS * INPUT_SIZE,), jnp.float32),
        pltpu.SemaphoreType.DMA,
        pltpu.SemaphoreType.DMA,
        pltpu.SemaphoreType.DMA,
    ],
)
def _sc_gather(inds_hbm, bs_hbm, wt_hbm, map_hbm, edges_hbm,
               g_hbm, dummy_hbm,
               edges_v, inds_v, bs_v, map_v, win_v, gcol_v,
               sem_m, sem_w, sem_g):
    wid = lax.axis_index("s") * NC + lax.axis_index("c")
    lo = pl.multiple_of((wid * (VOCAB // NW) // 128) * 128, 128)
    iota16 = lax.iota(jnp.int32, LANES)

    def pick(v, i):
        return jnp.take(v, jnp.full((LANES,), i, jnp.int32),
                        mode="fill", fill_value=0)[0]

    pltpu.sync_copy(edges_hbm, edges_v)
    ebase = pl.multiple_of((wid // 8) * 8, 8)
    evec = edges_v[pl.ds(ebase, LANES)]
    e_lo = pick(evec, wid & 7)
    e_hi = pick(evec, (wid & 7) + 1)

    for _ in range(CREDITS):
        pltpu.async_copy(gcol_v.at[pl.ds(0, INPUT_SIZE)], dummy_hbm, sem_g)

    def win_start(g):
        return pl.multiple_of(
            jnp.minimum(lo + g * WIN, PAD_MINOR - WIN), 128)

    def fire_win(g):
        pltpu.async_copy(
            wt_hbm.at[pl.ds(0, INPUT_SIZE), pl.ds(win_start(g), WIN)],
            win_v.at[g & 1],
            sem_w,
        )

    def drain_win(g):
        pltpu.make_async_copy(
            wt_hbm.at[pl.ds(0, INPUT_SIZE), pl.ds(0, WIN)],
            win_v.at[g & 1],
            sem_w,
        ).wait()

    def sweep_pass(astart0):
        astart = pl.multiple_of(
            jnp.minimum(astart0, BATCH - SEG) & ~7, 8)
        pltpu.sync_copy(inds_hbm.at[pl.ds(astart, SEG)], inds_v)
        pltpu.sync_copy(bs_hbm.at[pl.ds(astart, SEG)], bs_v)

        def m_fire(k, _):
            pltpu.async_copy(
                map_hbm.at[inds_v.at[pl.ds(k * MCHUNK, MCHUNK)]],
                map_v.at[pl.ds(k * MCHUNK, MCHUNK)],
                sem_m,
            )
            return 0

        lax.fori_loop(0, SEG // MCHUNK, m_fire, 0)

        def m_drain(k, _):
            pltpu.make_async_copy(
                map_hbm.at[inds_v.at[pl.ds(0, MCHUNK)]],
                map_v.at[pl.ds(k * MCHUNK, MCHUNK)],
                sem_m,
            ).wait()
            return 0

        lax.fori_loop(0, SEG // MCHUNK, m_drain, 0)

        def extract_win(g, carry):
            ptr0, credit0 = carry
            s = win_start(g)
            c0 = ptr0 + (credit0 << 8)

            def chunk_cond(c):
                p = c & 255
                poff = pl.multiple_of(
                    jnp.minimum(p, SEG // LANES - 1) * LANES, LANES)
                first = pick(map_v[pl.ds(poff, LANES)], 0)
                return ((c >> 14) == 0) & (p < SEG // LANES) & (first < s + WIN)

            def chunk_body(c):
                p = c & 255
                credit = (c >> 8) & 63
                off = pl.multiple_of(
                    jnp.minimum(p, SEG // LANES - 1) * LANES, LANES)
                m16 = map_v[pl.ds(off, LANES)]
                b16 = bs_v[pl.ds(off, LANES)]
                inw = (m16 >= s) & (m16 < s + WIN)
                pre = plsc.all_reduce_population_count(m16 < s)[0]
                n = plsc.all_reduce_population_count(inw)[0]

                def ext(i, credit):
                    lane = pre + i
                    mrel = pick(m16, lane) - s
                    b = pick(b16, lane)
                    slot = credit & (CREDITS - 1)
                    pltpu.make_async_copy(
                        gcol_v.at[pl.ds(0, INPUT_SIZE)], dummy_hbm,
                        sem_g).wait()
                    for q in range(INPUT_SIZE // LANES):
                        vals = plsc.load_gather(
                            win_v,
                            [jnp.full((LANES,), g & 1, jnp.int32),
                             iota16 + q * LANES,
                             jnp.full((LANES,), mrel, jnp.int32)],
                        )
                        gofs = pl.multiple_of(
                            slot * INPUT_SIZE + q * LANES, LANES)
                        gcol_v[pl.ds(gofs, LANES)] = vals
                    pltpu.async_copy(
                        gcol_v.at[pl.ds(
                            pl.multiple_of(slot * INPUT_SIZE, INPUT_SIZE),
                            INPUT_SIZE)],
                        g_hbm.at[pl.ds(
                            pl.multiple_of(b * INPUT_SIZE, INPUT_SIZE),
                            INPUT_SIZE)],
                        sem_g,
                    )
                    return (credit + 1) & 63

                credit = lax.fori_loop(0, n, ext, credit)
                consumed = plsc.all_reduce_population_count(
                    m16 < s + WIN)[0]
                full_chunk = consumed == LANES
                p = jnp.where(full_chunk, p + 1, p)
                done = jnp.where(full_chunk, 0, 1)
                return p + (credit << 8) + (done << 14)

            c1 = lax.while_loop(chunk_cond, chunk_body, c0)
            return c1 & 255, (c1 >> 8) & 63

        fire_win(0)

        def win_loop(g, carry):
            fire_win(g + 1)
            drain_win(g)
            return extract_win(g, carry)

        carry = lax.fori_loop(0, NWIN - 1, win_loop,
                              (jnp.int32(0), jnp.int32(0)))
        drain_win(NWIN - 1)
        extract_win(NWIN - 1, carry)
        return astart + SEG

    lax.while_loop(lambda a: a < e_hi, sweep_pass, e_lo & ~7)

    def g_drain(k, _):
        pltpu.make_async_copy(gcol_v.at[pl.ds(0, INPUT_SIZE)], dummy_hbm,
                              sem_g).wait()
        return 0

    lax.fori_loop(0, CREDITS, g_drain, 0)


@functools.partial(
    pl.pallas_call,
    out_shape=jax.ShapeDtypeStruct((INPUT_SIZE, BATCH), jnp.float32),
    grid=(16,),
    in_specs=[
        pl.BlockSpec((INPUT_SIZE, BATCH // 16), lambda i: (0, i)),
        pl.BlockSpec((BATCH // 16, INPUT_SIZE), lambda i: (i, 0)),
    ],
    out_specs=pl.BlockSpec((INPUT_SIZE, BATCH // 16), lambda i: (0, i)),
)
def _tc_add(xt_ref, g_ref, o_ref):
    o_ref[...] = xt_ref[...] + g_ref[...].T


def kernel(x, ind, weight, mapping):
    ind32 = ind.astype(jnp.int32)
    iota = lax.iota(jnp.int32, BATCH)
    ind_s, order = lax.sort((ind32, iota), dimension=0, num_keys=1)
    los = jnp.array(LOS, jnp.int32)
    edges = jnp.sum(ind_s[None, :] < los[:, None], axis=1,
                    dtype=jnp.int32)
    edges_padded = jnp.pad(edges, (0, 128 - edges.shape[0]),
                           constant_values=BATCH)
    g_lin, _ = _sc_gather(ind_s, order, weight.T,
                          mapping.astype(jnp.int32), edges_padded)
    return _tc_add(x.T, g_lin.reshape(BATCH, INPUT_SIZE)).T

# --- scband reference (transcript-rebuilt; emitter-appended) ---
"""Pipeline reference for scband-aux-layer-77403900608939 (READ-ONLY COPY).

The authoritative reference and input builder live on the scoring server;
editing this copy changes nothing except your own understanding.
"""

import jax, jax.numpy as jnp
import numpy as np

INPUT_SIZE = 64
OUTPUT_SIZE = 1000000
BATCH = 16384


def setup_inputs(seed: int = 0) -> dict:
    key = jax.random.key(seed)
    k_x, k_ind, k_w = jax.random.split(key, 3)
    x = jax.random.normal(k_x, (BATCH, INPUT_SIZE), dtype=jnp.float32)
    ind = jax.random.randint(k_ind, (BATCH,), 0, OUTPUT_SIZE, dtype=jnp.int64)
    # xavier_uniform init for weight [output_size, input_size]
    fan_in = INPUT_SIZE
    fan_out = OUTPUT_SIZE
    limit = float(np.sqrt(6.0 / (fan_in + fan_out)))
    weight = jax.random.uniform(k_w, (OUTPUT_SIZE, INPUT_SIZE), dtype=jnp.float32, minval=-limit, maxval=limit)
    mapping = jnp.arange(OUTPUT_SIZE, dtype=jnp.int64)
    return {"x": x, "ind": ind, "weight": weight, "mapping": mapping}


def reference(x, ind, weight, mapping):
    # AuxLayer.encode: x + weight[mapping[ind]].squeeze()
    mapped = jnp.take(mapping, ind, axis=0)
    gathered = jnp.take(weight, mapped, axis=0)
    gathered = jnp.squeeze(gathered)
    return x + gathered

if __name__ == "__main__":
    import jax
    _d = setup_inputs()
    print(jax.jit(kernel)(*tuple(_d.values())))

</pallas_src>

<mosaic_0001>
#map = affine_map<(d0, d1) -> (0)>
#map1 = affine_map<(d0, d1) -> (0, 0)>
module attributes {stable_mosaic.version = 14 : i64} {
  func.func @_sc_gather(%arg0: i32, %arg1: i32, %arg2: memref<16384xi32, #tpu.memory_space<hbm>>, %arg3: memref<16384xi32, #tpu.memory_space<hbm>>, %arg4: memref<64x1000000xf32, #tpu.memory_space<hbm>>, %arg5: memref<1000000xi32, #tpu.memory_space<hbm>>, %arg6: memref<128xi32, #tpu.memory_space<hbm>>, %arg7: memref<1048576xf32, #tpu.memory_space<hbm>>, %arg8: memref<64xf32, #tpu.memory_space<hbm>>, %arg9: memref<128xi32, #tpu.memory_space<vmem>>, %arg10: memref<2048xi32, #tpu.memory_space<vmem>>, %arg11: memref<2048xi32, #tpu.memory_space<vmem>>, %arg12: memref<2048xi32, #tpu.memory_space<vmem>>, %arg13: memref<2x64x512xf32, #tpu.memory_space<vmem>>, %arg14: memref<2048xf32, #tpu.memory_space<vmem>>, %arg15: memref<!tpu.dma_semaphore, #tpu.memory_space<semaphore_mem>>, %arg16: memref<!tpu.dma_semaphore, #tpu.memory_space<semaphore_mem>>, %arg17: memref<!tpu.dma_semaphore, #tpu.memory_space<semaphore_mem>>) attributes {dimension_semantics = [#tpu.dimension_semantics<core_parallel>, #tpu.dimension_semantics<subcore_parallel>], iteration_bounds = array<i64: 2, 16>, scalar_prefetch = 0 : i64, scratch_operands = 9 : i64, tpu.core_type = #tpu.core_type<sc_vector_subcore>, window_params = [{transform_indices = #map}, {transform_indices = #map}, {transform_indices = #map1}, {transform_indices = #map}, {transform_indices = #map}, {transform_indices = #map}, {transform_indices = #map}]} {
    %mul3A = arith.constant 2 : i32
    %mul3A_0 = arith.muli %arg1, %mul3A : i32
    %add3A = arith.addi %mul3A_0, %arg0 : i32
    %mul3A_1 = arith.constant 31250 : i32
    %mul3A_2 = arith.muli %add3A, %mul3A_1 : i32
    %jit3A = arith.constant 128 : i32
    %div3A = arith.divsi %mul3A_2, %jit3A : i32
    %sign3A = arith.constant 0 : i32
    %sign3A_3 = arith.cmpi sgt, %mul3A_2, %sign3A : i32
    %sign3A_4 = arith.extui %sign3A_3 : i1 to i32
    %sign3A_5 = arith.constant 0 : i32
    %sign3A_6 = arith.cmpi slt, %mul3A_2, %sign3A_5 : i32
    %sign3A_7 = arith.extui %sign3A_6 : i1 to i32
    %sign3A_8 = arith.subi %sign3A_4, %sign3A_7 : i32
    %sign3A_9 = arith.constant 0 : i32
    %sign3A_10 = arith.cmpi sgt, %jit3A, %sign3A_9 : i32
    %sign3A_11 = arith.extui %sign3A_10 : i1 to i32
    %sign3A_12 = arith.constant 0 : i32
    %sign3A_13 = arith.cmpi slt, %jit3A, %sign3A_12 : i32
    %sign3A_14 = arith.extui %sign3A_13 : i1 to i32
    %sign3A_15 = arith.subi %sign3A_11, %sign3A_14 : i32
    %ne3A = arith.cmpi ne, %sign3A_8, %sign3A_15 : i32
    %rem3A = arith.remsi %mul3A_2, %jit3A : i32
    %ne3A_16 = arith.constant 0 : i32
    %ne3A_17 = arith.cmpi ne, %rem3A, %ne3A_16 : i32
    %and3A = arith.andi %ne3A, %ne3A_17 : i1
    %sub3A = arith.constant 1 : i32
    %sub3A_18 = arith.subi %div3A, %sub3A : i32
    %select_n3A = arith.select %and3A, %sub3A_18, %div3A : i32
    %mul3A_19 = arith.constant 128 : i32
    %mul3A_20 = arith.muli %select_n3A, %mul3A_19 : i32
    %multiple_of3A = tpu.assume_multiple %mul3A_20, 128 : i32
    %iota3A = tpu.iota {dimensions = array<i32: 0>} : vector<16xi32>
    "tpu.region"() ({
      %run_scoped3A = tpu.sem_alloc : memref<!tpu.dma_semaphore, #tpu.memory_space<semaphore_mem>>
      tpu.enqueue_dma source(%arg6 : memref<128xi32, #tpu.memory_space<hbm>>) target(%arg9 : memref<128xi32, #tpu.memory_space<vmem>>) target_semaphore(%run_scoped3A : memref<!tpu.dma_semaphore, #tpu.memory_space<semaphore_mem>>)
      tpu.wait_dma2 semaphore(%run_scoped3A : memref<!tpu.dma_semaphore, #tpu.memory_space<semaphore_mem>>) src(%arg6 : memref<128xi32, #tpu.memory_space<hbm>>) dst(%arg9 : memref<128xi32, #tpu.memory_space<vmem>>)
      tpu.yield
    }) : () -> ()
    %jit3A_21 = arith.constant 8 : i32
    %div3A_22 = arith.divsi %add3A, %jit3A_21 : i32
    %sign3A_23 = arith.constant 0 : i32
    %sign3A_24 = arith.cmpi sgt, %add3A, %sign3A_23 : i32
    %sign3A_25 = arith.extui %sign3A_24 : i1 to i32
    %sign3A_26 = arith.constant 0 : i32
    %sign3A_27 = arith.cmpi slt, %add3A, %sign3A_26 : i32
    %sign3A_28 = arith.extui %sign3A_27 : i1 to i32
    %sign3A_29 = arith.subi %sign3A_25, %sign3A_28 : i32
    %sign3A_30 = arith.constant 0 : i32
    %sign3A_31 = arith.cmpi sgt, %jit3A_21, %sign3A_30 : i32
    %sign3A_32 = arith.extui %sign3A_31 : i1 to i32
    %sign3A_33 = arith.constant 0 : i32
    %sign3A_34 = arith.cmpi slt, %jit3A_21, %sign3A_33 : i32
    %sign3A_35 = arith.extui %sign3A_34 : i1 to i32
    %sign3A_36 = arith.subi %sign3A_32, %sign3A_35 : i32
    %ne3A_37 = arith.cmpi ne, %sign3A_29, %sign3A_36 : i32
    %rem3A_38 = arith.remsi %add3A, %jit3A_21 : i32
    %ne3A_39 = arith.constant 0 : i32
    %ne3A_40 = arith.cmpi ne, %rem3A_38, %ne3A_39 : i32
    %and3A_41 = arith.andi %ne3A_37, %ne3A_40 : i1
    %sub3A_42 = arith.constant 1 : i32
    %sub3A_43 = arith.subi %div3A_22, %sub3A_42 : i32
    %select_n3A_44 = arith.select %and3A_41, %sub3A_43, %div3A_22 : i32
    %mul3A_45 = arith.constant 8 : i32
    %mul3A_46 = arith.muli %select_n3A_44, %mul3A_45 : i32
    %multiple_of3A_47 = tpu.assume_multiple %mul3A_46, 8 : i32
    %get3A = arith.index_cast %multiple_of3A_47 : i32 to index
    %get3A_48 = tpu.vector_load %arg9[%get3A] {strides = array<i32>} : memref<128xi32, #tpu.memory_space<vmem>>, vector<16xi32>,
    %and3A_49 = arith.constant 7 : i32
    %and3A_50 = arith.andi %add3A, %and3A_49 : i32
    %broadcast_in_dim3A = vector.broadcast %and3A_50 : i32 to vector<16xi32>
    %lt3A = arith.constant 0 : i32
    %lt3A_51 = vector.broadcast %lt3A : i32 to vector<16xi32>
    %lt3A_52 = arith.cmpi slt, %broadcast_in_dim3A, %lt3A_51 : vector<16xi32>
    %add3A_53 = arith.constant 16 : i32
    %add3A_54 = vector.broadcast %add3A_53 : i32 to vector<16xi32>
    %add3A_55 = arith.addi %broadcast_in_dim3A, %add3A_54 : vector<16xi32>
    %select_n3A_56 = arith.select %lt3A_52, %add3A_55, %broadcast_in_dim3A : vector<16xi1>, vector<16xi32>
    %broadcast_in_dim3A_57 = vector.shape_cast %select_n3A_56 : vector<16xi32> to vector<16x1xi32>
    %gather3A = vector.shape_cast %broadcast_in_dim3A_57 : vector<16x1xi32> to vector<16xi32>
    %gather3A_58 = tpu.dynamic_gather %get3A_48[%gather3A] in [0] : vector<16xi32>, vector<16xi32> -> vector<16xi32>
    %slice3A = vector.extract_strided_slice %gather3A_58 {offsets = [0], sizes = [1], strides = [1]} : vector<16xi32> to vector<1xi32>
    %squeeze3A = vector.extract %slice3A[0] : i32 from vector<1xi32>
    %and3A_59 = arith.constant 7 : i32
    %and3A_60 = arith.andi %add3A, %and3A_59 : i32
    %add3A_61 = arith.constant 1 : i32
    %add3A_62 = arith.addi %and3A_60, %add3A_61 : i32
    %broadcast_in_dim3A_63 = vector.broadcast %add3A_62 : i32 to vector<16xi32>
    %lt3A_64 = arith.constant 0 : i32
    %lt3A_65 = vector.broadcast %lt3A_64 : i32 to vector<16xi32>
    %lt3A_66 = arith.cmpi slt, %broadcast_in_dim3A_63, %lt3A_65 : vector<16xi32>
    %add3A_67 = arith.constant 16 : i32
    %add3A_68 = vector.broadcast %add3A_67 : i32 to vector<16xi32>
    %add3A_69 = arith.addi %broadcast_in_dim3A_63, %add3A_68 : vector<16xi32>
    %select_n3A_70 = arith.select %lt3A_66, %add3A_69, %broadcast_in_dim3A_63 : vector<16xi1>, vector<16xi32>
    %broadcast_in_dim3A_71 = vector.shape_cast %select_n3A_70 : vector<16xi32> to vector<16x1xi32>
    %gather3A_72 = vector.shape_cast %broadcast_in_dim3A_71 : vector<16x1xi32> to vector<16xi32>
    %gather3A_73 = tpu.dynamic_gather %get3A_48[%gather3A_72] in [0] : vector<16xi32>, vector<16xi32> -> vector<16xi32>
    %slice3A_74 = vector.extract_strided_slice %gather3A_73 {offsets = [0], sizes = [1], strides = [1]} : vector<16xi32> to vector<1xi32>
    %squeeze3A_75 = vector.extract %slice3A_74[0] : i32 from vector<1xi32>
    %dma_start3A = arith.constant 0 : i32
    %dma_start3A_76 = tpu.memref_slice %arg14[%dma_start3A] : memref<2048xf32, #tpu.memory_space<vmem>> -> memref<64xf32, #tpu.memory_space<vmem>>
    %dma_start3A_77 = arith.constant 0 : i32
    %dma_start3A_78 = tpu.memref_slice %arg14[%dma_start3A_77] : memref<2048xf32, #tpu.memory_space<vmem>> -> memref<64xf32, #tpu.memory_space<vmem>>
    tpu.enqueue_dma source(%dma_start3A_78 : memref<64xf32, #tpu.memory_space<vmem>>) target(%arg8 : memref<64xf32, #tpu.memory_space<hbm>>) target_semaphore(%arg17 : memref<!tpu.dma_semaphore, #tpu.memory_space<semaphore_mem>>)
    %dma_start3A_79 = arith.constant 0 : i32
    %dma_start3A_80 = tpu.memref_slice %arg14[%dma_start3A_79] : memref<2048xf32, #tpu.memory_space<vmem>> -> memref<64xf32, #tpu.memory_space<vmem>>
    %dma_start3A_81 = arith.constant 0 : i32
    %dma_start3A_82 = tpu.memref_slice %arg14[%dma_start3A_81] : memref<2048xf32, #tpu.memory_space<vmem>> -> memref<64xf32, #tpu.memory_space<vmem>>
    tpu.enqueue_dma source(%dma_start3A_82 : memref<64xf32, #tpu.memory_space<vmem>>) target(%arg8 : memref<64xf32, #tpu.memory_space<hbm>>) target_semaphore(%arg17 : memref<!tpu.dma_semaphore, #tpu.memory_space<semaphore_mem>>)
    %dma_start3A_83 = arith.constant 0 : i32
    %dma_start3A_84 = tpu.memref_slice %arg14[%dma_start3A_83] : memref<2048xf32, #tpu.memory_space<vmem>> -> memref<64xf32, #tpu.memory_space<vmem>>
    %dma_start3A_85 = arith.constant 0 : i32
    %dma_start3A_86 = tpu.memref_slice %arg14[%dma_start3A_85] : memref<2048xf32, #tpu.memory_space<vmem>> -> memref<64xf32, #tpu.memory_space<vmem>>
    tpu.enqueue_dma source(%dma_start3A_86 : memref<64xf32, #tpu.memory_space<vmem>>) target(%arg8 : memref<64xf32, #tpu.memory_space<hbm>>) target_semaphore(%arg17 : memref<!tpu.dma_semaphore, #tpu.memory_space<semaphore_mem>>)
    %dma_start3A_87 = arith.constant 0 : i32
    %dma_start3A_88 = tpu.memref_slice %arg14[%dma_start3A_87] : memref<2048xf32, #tpu.memory_space<vmem>> -> memref<64xf32, #tpu.memory_space<vmem>>
    %dma_start3A_89 = arith.constant 0 : i32
    %dma_start3A_90 = tpu.memref_slice %arg14[%dma_start3A_89] : memref<2048xf32, #tpu.memory_space<vmem>> -> memref<64xf32, #tpu.memory_space<vmem>>
    tpu.enqueue_dma source(%dma_start3A_90 : memref<64xf32, #tpu.memory_space<vmem>>) target(%arg8 : memref<64xf32, #tpu.memory_space<hbm>>) target_semaphore(%arg17 : memref<!tpu.dma_semaphore, #tpu.memory_space<semaphore_mem>>)
    %dma_start3A_91 = arith.constant 0 : i32
    %dma_start3A_92 = tpu.memref_slice %arg14[%dma_start3A_91] : memref<2048xf32, #tpu.memory_space<vmem>> -> memref<64xf32, #tpu.memory_space<vmem>>
    %dma_start3A_93 = arith.constant 0 : i32
    %dma_start3A_94 = tpu.memref_slice %arg14[%dma_start3A_93] : memref<2048xf32, #tpu.memory_space<vmem>> -> memref<64xf32, #tpu.memory_space<vmem>>
    tpu.enqueue_dma source(%dma_start3A_94 : memref<64xf32, #tpu.memory_space<vmem>>) target(%arg8 : memref<64xf32, #tpu.memory_space<hbm>>) target_semaphore(%arg17 : memref<!tpu.dma_semaphore, #tpu.memory_space<semaphore_mem>>)
    %dma_start3A_95 = arith.constant 0 : i32
    %dma_start3A_96 = tpu.memref_slice %arg14[%dma_start3A_95] : memref<2048xf32, #tpu.memory_space<vmem>> -> memref<64xf32, #tpu.memory_space<vmem>>
    %dma_start3A_97 = arith.constant 0 : i32
    %dma_start3A_98 = tpu.memref_slice %arg14[%dma_start3A_97] : memref<2048xf32, #tpu.memory_space<vmem>> -> memref<64xf32, #tpu.memory_space<vmem>>
    tpu.enqueue_dma source(%dma_start3A_98 : memref<64xf32, #tpu.memory_space<vmem>>) target(%arg8 : memref<64xf32, #tpu.memory_space<hbm>>) target_semaphore(%arg17 : memref<!tpu.dma_semaphore, #tpu.memory_space<semaphore_mem>>)
    %dma_start3A_99 = arith.constant 0 : i32
    %dma_start3A_100 = tpu.memref_slice %arg14[%dma_start3A_99] : memref<2048xf32, #tpu.memory_space<vmem>> -> memref<64xf32, #tpu.memory_space<vmem>>
    %dma_start3A_101 = arith.constant 0 : i32
    %dma_start3A_102 = tpu.memref_slice %arg14[%dma_start3A_101] : memref<2048xf32, #tpu.memory_space<vmem>> -> memref<64xf32, #tpu.memory_space<vmem>>
    tpu.enqueue_dma source(%dma_start3A_102 : memref<64xf32, #tpu.memory_space<vmem>>) target(%arg8 : memref<64xf32, #tpu.memory_space<hbm>>) target_semaphore(%arg17 : memref<!tpu.dma_semaphore, #tpu.memory_space<semaphore_mem>>)
    %dma_start3A_103 = arith.constant 0 : i32
    %dma_start3A_104 = tpu.memref_slice %arg14[%dma_start3A_103] : memref<2048xf32, #tpu.memory_space<vmem>> -> memref<64xf32, #tpu.memory_space<vmem>>
    %dma_start3A_105 = arith.constant 0 : i32
    %dma_start3A_106 = tpu.memref_slice %arg14[%dma_start3A_105] : memref<2048xf32, #tpu.memory_space<vmem>> -> memref<64xf32, #tpu.memory_space<vmem>>
    tpu.enqueue_dma source(%dma_start3A_106 : memref<64xf32, #tpu.memory_space<vmem>>) target(%arg8 : memref<64xf32, #tpu.memory_space<hbm>>) target_semaphore(%arg17 : memref<!tpu.dma_semaphore, #tpu.memory_space<semaphore_mem>>)
    %dma_start3A_107 = arith.constant 0 : i32
    %dma_start3A_108 = tpu.memref_slice %arg14[%dma_start3A_107] : memref<2048xf32, #tpu.memory_space<vmem>> -> memref<64xf32, #tpu.memory_space<vmem>>
    %dma_start3A_109 = arith.constant 0 : i32
    %dma_start3A_110 = tpu.memref_slice %arg14[%dma_start3A_109] : memref<2048xf32, #tpu.memory_space<vmem>> -> memref<64xf32, #tpu.memory_space<vmem>>
    tpu.enqueue_dma source(%dma_start3A_110 : memref<64xf32, #tpu.memory_space<vmem>>) target(%arg8 : memref<64xf32, #tpu.memory_space<hbm>>) target_semaphore(%arg17 : memref<!tpu.dma_semaphore, #tpu.memory_space<semaphore_mem>>)
    %dma_start3A_111 = arith.constant 0 : i32
    %dma_start3A_112 = tpu.memref_slice %arg14[%dma_start3A_111] : memref<2048xf32, #tpu.memory_space<vmem>> -> memref<64xf32, #tpu.memory_space<vmem>>
    %dma_start3A_113 = arith.constant 0 : i32
    %dma_start3A_114 = tpu.memref_slice %arg14[%dma_start3A_113] : memref<2048xf32, #tpu.memory_space<vmem>> -> memref<64xf32, #tpu.memory_space<vmem>>
    tpu.enqueue_dma source(%dma_start3A_114 : memref<64xf32, #tpu.memory_space<vmem>>) target(%arg8 : memref<64xf32, #tpu.memory_space<hbm>>) target_semaphore(%arg17 : memref<!tpu.dma_semaphore, #tpu.memory_space<semaphore_mem>>)
    %dma_start3A_115 = arith.constant 0 : i32
    %dma_start3A_116 = tpu.memref_slice %arg14[%dma_start3A_115] : memref<2048xf32, #tpu.memory_space<vmem>> -> memref<64xf32, #tpu.memory_space<vmem>>
    %dma_start3A_117 = arith.constant 0 : i32
    %dma_start3A_118 = tpu.memref_slice %arg14[%dma_start3A_117] : memref<2048xf32, #tpu.memory_space<vmem>> -> memref<64xf32, #tpu.memory_space<vmem>>
    tpu.enqueue_dma source(%dma_start3A_118 : memref<64xf32, #tpu.memory_space<vmem>>) target(%arg8 : memref<64xf32, #tpu.memory_space<hbm>>) target_semaphore(%arg17 : memref<!tpu.dma_semaphore, #tpu.memory_space<semaphore_mem>>)
    %dma_start3A_119 = arith.constant 0 : i32
    %dma_start3A_120 = tpu.memref_slice %arg14[%dma_start3A_119] : memref<2048xf32, #tpu.memory_space<vmem>> -> memref<64xf32, #tpu.memory_space<vmem>>
    %dma_start3A_121 = arith.constant 0 : i32
    %dma_start3A_122 = tpu.memref_slice %arg14[%dma_start3A_121] : memref<2048xf32, #tpu.memory_space<vmem>> -> memref<64xf32, #tpu.memory_space<vmem>>
    tpu.enqueue_dma source(%dma_start3A_122 : memref<64xf32, #tpu.memory_space<vmem>>) target(%arg8 : memref<64xf32, #tpu.memory_space<hbm>>) target_semaphore(%arg17 : memref<!tpu.dma_semaphore, #tpu.memory_space<semaphore_mem>>)
    %dma_start3A_123 = arith.constant 0 : i32
    %dma_start3A_124 = tpu.memref_slice %arg14[%dma_start3A_123] : memref<2048xf32, #tpu.memory_space<vmem>> -> memref<64xf32, #tpu.memory_space<vmem>>
    %dma_start3A_125 = arith.constant 0 : i32
    %dma_start3A_126 = tpu.memref_slice %arg14[%dma_start3A_125] : memref<2048xf32, #tpu.memory_space<vmem>> -> memref<64xf32, #tpu.memory_space<vmem>>
    tpu.enqueue_dma source(%dma_start3A_126 : memref<64xf32, #tpu.memory_space<vmem>>) target(%arg8 : memref<64xf32, #tpu.memory_space<hbm>>) target_semaphore(%arg17 : memref<!tpu.dma_semaphore, #tpu.memory_space<semaphore_mem>>)
    %dma_start3A_127 = arith.constant 0 : i32
    %dma_start3A_128 = tpu.memref_slice %arg14[%dma_start3A_127] : memref<2048xf32, #tpu.memory_space<vmem>> -> memref<64xf32, #tpu.memory_space<vmem>>
    %dma_start3A_129 = arith.constant 0 : i32
    %dma_start3A_130 = tpu.memref_slice %arg14[%dma_start3A_129] : memref<2048xf32, #tpu.memory_space<vmem>> -> memref<64xf32, #tpu.memory_space<vmem>>
    tpu.enqueue_dma source(%dma_start3A_130 : memref<64xf32, #tpu.memory_space<vmem>>) target(%arg8 : memref<64xf32, #tpu.memory_space<hbm>>) target_semaphore(%arg17 : memref<!tpu.dma_semaphore, #tpu.memory_space<semaphore_mem>>)
    %dma_start3A_131 = arith.constant 0 : i32
    %dma_start3A_132 = tpu.memref_slice %arg14[%dma_start3A_131] : memref<2048xf32, #tpu.memory_space<vmem>> -> memref<64xf32, #tpu.memory_space<vmem>>
    %dma_start3A_133 = arith.constant 0 : i32
    %dma_start3A_134 = tpu.memref_slice %arg14[%dma_start3A_133] : memref<2048xf32, #tpu.memory_space<vmem>> -> memref<64xf32, #tpu.memory_space<vmem>>
    tpu.enqueue_dma source(%dma_start3A_134 : memref<64xf32, #tpu.memory_space<vmem>>) target(%arg8 : memref<64xf32, #tpu.memory_space<hbm>>) target_semaphore(%arg17 : memref<!tpu.dma_semaphore, #tpu.memory_space<semaphore_mem>>)
    %dma_start3A_135 = arith.constant 0 : i32
    %dma_start3A_136 = tpu.memref_slice %arg14[%dma_start3A_135] : memref<2048xf32, #tpu.memory_space<vmem>> -> memref<64xf32, #tpu.memory_space<vmem>>
    %dma_start3A_137 = arith.constant 0 : i32
    %dma_start3A_138 = tpu.memref_slice %arg14[%dma_start3A_137] : memref<2048xf32, #tpu.memory_space<vmem>> -> memref<64xf32, #tpu.memory_space<vmem>>
    tpu.enqueue_dma source(%dma_start3A_138 : memref<64xf32, #tpu.memory_space<vmem>>) target(%arg8 : memref<64xf32, #tpu.memory_space<hbm>>) target_semaphore(%arg17 : memref<!tpu.dma_semaphore, #tpu.memory_space<semaphore_mem>>)
    %dma_start3A_139 = arith.constant 0 : i32
    %dma_start3A_140 = tpu.memref_slice %arg14[%dma_start3A_139] : memref<2048xf32, #tpu.memory_space<vmem>> -> memref<64xf32, #tpu.memory_space<vmem>>
    %dma_start3A_141 = arith.constant 0 : i32
    %dma_start3A_142 = tpu.memref_slice %arg14[%dma_start3A_141] : memref<2048xf32, #tpu.memory_space<vmem>> -> memref<64xf32, #tpu.memory_space<vmem>>
    tpu.enqueue_dma source(%dma_start3A_142 : memref<64xf32, #tpu.memory_space<vmem>>) target(%arg8 : memref<64xf32, #tpu.memory_space<hbm>>) target_semaphore(%arg17 : memref<!tpu.dma_semaphore, #tpu.memory_space<semaphore_mem>>)
    %dma_start3A_143 = arith.constant 0 : i32
    %dma_start3A_144 = tpu.memref_slice %arg14[%dma_start3A_143] : memref<2048xf32, #tpu.memory_space<vmem>> -> memref<64xf32, #tpu.memory_space<vmem>>
    %dma_start3A_145 = arith.constant 0 : i32
    %dma_start3A_146 = tpu.memref_slice %arg14[%dma_start3A_145] : memref<2048xf32, #tpu.memory_space<vmem>> -> memref<64xf32, #tpu.memory_space<vmem>>
    tpu.enqueue_dma source(%dma_start3A_146 : memref<64xf32, #tpu.memory_space<vmem>>) target(%arg8 : memref<64xf32, #tpu.memory_space<hbm>>) target_semaphore(%arg17 : memref<!tpu.dma_semaphore, #tpu.memory_space<semaphore_mem>>)
    %dma_start3A_147 = arith.constant 0 : i32
    %dma_start3A_148 = tpu.memref_slice %arg14[%dma_start3A_147] : memref<2048xf32, #tpu.memory_space<vmem>> -> memref<64xf32, #tpu.memory_space<vmem>>
    %dma_start3A_149 = arith.constant 0 : i32
    %dma_start3A_150 = tpu.memref_slice %arg14[%dma_start3A_149] : memref<2048xf32, #tpu.memory_space<vmem>> -> memref<64xf32, #tpu.memory_space<vmem>>
    tpu.enqueue_dma source(%dma_start3A_150 : memref<64xf32, #tpu.memory_space<vmem>>) target(%arg8 : memref<64xf32, #tpu.memory_space<hbm>>) target_semaphore(%arg17 : memref<!tpu.dma_semaphore, #tpu.memory_space<semaphore_mem>>)
    %dma_start3A_151 = arith.constant 0 : i32
    %dma_start3A_152 = tpu.memref_slice %arg14[%dma_start3A_151] : memref<2048xf32, #tpu.memory_space<vmem>> -> memref<64xf32, #tpu.memory_space<vmem>>
    %dma_start3A_153 = arith.constant 0 : i32
    %dma_start3A_154 = tpu.memref_slice %arg14[%dma_start3A_153] : memref<2048xf32, #tpu.memory_space<vmem>> -> memref<64xf32, #tpu.memory_space<vmem>>
    tpu.enqueue_dma source(%dma_start3A_154 : memref<64xf32, #tpu.memory_space<vmem>>) target(%arg8 : memref<64xf32, #tpu.memory_space<hbm>>) target_semaphore(%arg17 : memref<!tpu.dma_semaphore, #tpu.memory_space<semaphore_mem>>)
    %dma_start3A_155 = arith.constant 0 : i32
    %dma_start3A_156 = tpu.memref_slice %arg14[%dma_start3A_155] : memref<2048xf32, #tpu.memory_space<vmem>> -> memref<64xf32, #tpu.memory_space<vmem>>
    %dma_start3A_157 = arith.constant 0 : i32
    %dma_start3A_158 = tpu.memref_slice %arg14[%dma_start3A_157] : memref<2048xf32, #tpu.memory_space<vmem>> -> memref<64xf32, #tpu.memory_space<vmem>>
    tpu.enqueue_dma source(%dma_start3A_158 : memref<64xf32, #tpu.memory_space<vmem>>) target(%arg8 : memref<64xf32, #tpu.memory_space<hbm>>) target_semaphore(%arg17 : memref<!tpu.dma_semaphore, #tpu.memory_space<semaphore_mem>>)
    %dma_start3A_159 = arith.constant 0 : i32
    %dma_start3A_160 = tpu.memref_slice %arg14[%dma_start3A_159] : memref<2048xf32, #tpu.memory_space<vmem>> -> memref<64xf32, #tpu.memory_space<vmem>>
    %dma_start3A_161 = arith.constant 0 : i32
    %dma_start3A_162 = tpu.memref_slice %arg14[%dma_start3A_161] : memref<2048xf32, #tpu.memory_space<vmem>> -> memref<64xf32, #tpu.memory_space<vmem>>
    tpu.enqueue_dma source(%dma_start3A_162 : memref<64xf32, #tpu.memory_space<vmem>>) target(%arg8 : memref<64xf32, #tpu.memory_space<hbm>>) target_semaphore(%arg17 : memref<!tpu.dma_semaphore, #tpu.memory_space<semaphore_mem>>)
    %dma_start3A_163 = arith.constant 0 : i32
    %dma_start3A_164 = tpu.memref_slice %arg14[%dma_start3A_163] : memref<2048xf32, #tpu.memory_space<vmem>> -> memref<64xf32, #tpu.memory_space<vmem>>
    %dma_start3A_165 = arith.constant 0 : i32
    %dma_start3A_166 = tpu.memref_slice %arg14[%dma_start3A_165] : memref<2048xf32, #tpu.memory_space<vmem>> -> memref<64xf32, #tpu.memory_space<vmem>>
    tpu.enqueue_dma source(%dma_start3A_166 : memref<64xf32, #tpu.memory_space<vmem>>) target(%arg8 : memref<64xf32, #tpu.memory_space<hbm>>) target_semaphore(%arg17 : memref<!tpu.dma_semaphore, #tpu.memory_space<semaphore_mem>>)
    %dma_start3A_167 = arith.constant 0 : i32
    %dma_start3A_168 = tpu.memref_slice %arg14[%dma_start3A_167] : memref<2048xf32, #tpu.memory_space<vmem>> -> memref<64xf32, #tpu.memory_space<vmem>>
    %dma_start3A_169 = arith.constant 0 : i32
    %dma_start3A_170 = tpu.memref_slice %arg14[%dma_start3A_169] : memref<2048xf32, #tpu.memory_space<vmem>> -> memref<64xf32, #tpu.memory_space<vmem>>
    tpu.enqueue_dma source(%dma_start3A_170 : memref<64xf32, #tpu.memory_space<vmem>>) target(%arg8 : memref<64xf32, #tpu.memory_space<hbm>>) target_semaphore(%arg17 : memref<!tpu.dma_semaphore, #tpu.memory_space<semaphore_mem>>)
    %dma_start3A_171 = arith.constant 0 : i32
    %dma_start3A_172 = tpu.memref_slice %arg14[%dma_start3A_171] : memref<2048xf32, #tpu.memory_space<vmem>> -> memref<64xf32, #tpu.memory_space<vmem>>
    %dma_start3A_173 = arith.constant 0 : i32
    %dma_start3A_174 = tpu.memref_slice %arg14[%dma_start3A_173] : memref<2048xf32, #tpu.memory_space<vmem>> -> memref<64xf32, #tpu.memory_space<vmem>>
    tpu.enqueue_dma source(%dma_start3A_174 : memref<64xf32, #tpu.memory_space<vmem>>) target(%arg8 : memref<64xf32, #tpu.memory_space<hbm>>) target_semaphore(%arg17 : memref<!tpu.dma_semaphore, #tpu.memory_space<semaphore_mem>>)
    %dma_start3A_175 = arith.constant 0 : i32
    %dma_start3A_176 = tpu.memref_slice %arg14[%dma_start3A_175] : memref<2048xf32, #tpu.memory_space<vmem>> -> memref<64xf32, #tpu.memory_space<vmem>>
    %dma_start3A_177 = arith.constant 0 : i32
    %dma_start3A_178 = tpu.memref_slice %arg14[%dma_start3A_177] : memref<2048xf32, #tpu.memory_space<vmem>> -> memref<64xf32, #tpu.memory_space<vmem>>
    tpu.enqueue_dma source(%dma_start3A_178 : memref<64xf32, #tpu.memory_space<vmem>>) target(%arg8 : memref<64xf32, #tpu.memory_space<hbm>>) target_semaphore(%arg17 : memref<!tpu.dma_semaphore, #tpu.memory_space<semaphore_mem>>)
    %dma_start3A_179 = arith.constant 0 : i32
    %dma_start3A_180 = tpu.memref_slice %arg14[%dma_start3A_179] : memref<2048xf32, #tpu.memory_space<vmem>> -> memref<64xf32, #tpu.memory_space<vmem>>
    %dma_start3A_181 = arith.constant 0 : i32
    %dma_start3A_182 = tpu.memref_slice %arg14[%dma_start3A_181] : memref<2048xf32, #tpu.memory_space<vmem>> -> memref<64xf32, #tpu.memory_space<vmem>>
    tpu.enqueue_dma source(%dma_start3A_182 : memref<64xf32, #tpu.memory_space<vmem>>) target(%arg8 : memref<64xf32, #tpu.memory_space<hbm>>) target_semaphore(%arg17 : memref<!tpu.dma_semaphore, #tpu.memory_space<semaphore_mem>>)
    %dma_start3A_183 = arith.constant 0 : i32
    %dma_start3A_184 = tpu.memref_slice %arg14[%dma_start3A_183] : memref<2048xf32, #tpu.memory_space<vmem>> -> memref<64xf32, #tpu.memory_space<vmem>>
    %dma_start3A_185 = arith.constant 0 : i32
    %dma_start3A_186 = tpu.memref_slice %arg14[%dma_start3A_185] : memref<2048xf32, #tpu.memory_space<vmem>> -> memref<64xf32, #tpu.memory_space<vmem>>
    tpu.enqueue_dma source(%dma_start3A_186 : memref<64xf32, #tpu.memory_space<vmem>>) target(%arg8 : memref<64xf32, #tpu.memory_space<hbm>>) target_semaphore(%arg17 : memref<!tpu.dma_semaphore, #tpu.memory_space<semaphore_mem>>)
    %dma_start3A_187 = arith.constant 0 : i32
    %dma_start3A_188 = tpu.memref_slice %arg14[%dma_start3A_187] : memref<2048xf32, #tpu.memory_space<vmem>> -> memref<64xf32, #tpu.memory_space<vmem>>
    %dma_start3A_189 = arith.constant 0 : i32
    %dma_start3A_190 = tpu.memref_slice %arg14[%dma_start3A_189] : memref<2048xf32, #tpu.memory_space<vmem>> -> memref<64xf32, #tpu.memory_space<vmem>>
    tpu.enqueue_dma source(%dma_start3A_190 : memref<64xf32, #tpu.memory_space<vmem>>) target(%arg8 : memref<64xf32, #tpu.memory_space<hbm>>) target_semaphore(%arg17 : memref<!tpu.dma_semaphore, #tpu.memory_space<semaphore_mem>>)
    %dma_start3A_191 = arith.constant 0 : i32
    %dma_start3A_192 = tpu.memref_slice %arg14[%dma_start3A_191] : memref<2048xf32, #tpu.memory_space<vmem>> -> memref<64xf32, #tpu.memory_space<vmem>>
    %dma_start3A_193 = arith.constant 0 : i32
    %dma_start3A_194 = tpu.memref_slice %arg14[%dma_start3A_193] : memref<2048xf32, #tpu.memory_space<vmem>> -> memref<64xf32, #tpu.memory_space<vmem>>
    tpu.enqueue_dma source(%dma_start3A_194 : memref<64xf32, #tpu.memory_space<vmem>>) target(%arg8 : memref<64xf32, #tpu.memory_space<hbm>>) target_semaphore(%arg17 : memref<!tpu.dma_semaphore, #tpu.memory_space<semaphore_mem>>)
    %dma_start3A_195 = arith.constant 0 : i32
    %dma_start3A_196 = tpu.memref_slice %arg14[%dma_start3A_195] : memref<2048xf32, #tpu.memory_space<vmem>> -> memref<64xf32, #tpu.memory_space<vmem>>
    %dma_start3A_197 = arith.constant 0 : i32
    %dma_start3A_198 = tpu.memref_slice %arg14[%dma_start3A_197] : memref<2048xf32, #tpu.memory_space<vmem>> -> memref<64xf32, #tpu.memory_space<vmem>>
    tpu.enqueue_dma source(%dma_start3A_198 : memref<64xf32, #tpu.memory_space<vmem>>) target(%arg8 : memref<64xf32, #tpu.memory_space<hbm>>) target_semaphore(%arg17 : memref<!tpu.dma_semaphore, #tpu.memory_space<semaphore_mem>>)
    %dma_start3A_199 = arith.constant 0 : i32
    %dma_start3A_200 = tpu.memref_slice %arg14[%dma_start3A_199] : memref<2048xf32, #tpu.memory_space<vmem>> -> memref<64xf32, #tpu.memory_space<vmem>>
    %dma_start3A_201 = arith.constant 0 : i32
    %dma_start3A_202 = tpu.memref_slice %arg14[%dma_start3A_201] : memref<2048xf32, #tpu.memory_space<vmem>> -> memref<64xf32, #tpu.memory_space<vmem>>
    tpu.enqueue_dma source(%dma_start3A_202 : memref<64xf32, #tpu.memory_space<vmem>>) target(%arg8 : memref<64xf32, #tpu.memory_space<hbm>>) target_semaphore(%arg17 : memref<!tpu.dma_semaphore, #tpu.memory_space<semaphore_mem>>)
    %and3A_203 = arith.constant -8 : i32
    %and3A_204 = arith.andi %squeeze3A, %and3A_203 : i32
    %while3A = scf.while (%while3A_211 = %and3A_204) : (i32) -> i32 {
      %lt3A_212 = arith.cmpi slt, %while3A_211, %squeeze3A_75 : i32
      scf.condition(%lt3A_212) %while3A_211 : i32
    } do {
    ^bb0(%while3A_211: i32):
      %min3A = arith.constant 14336 : i32
      %min3A_212 = arith.minsi %while3A_211, %min3A : i32
      %and3A_213 = arith.constant -8 : i32
      %and3A_214 = arith.andi %min3A_212, %and3A_213 : i32
      %multiple_of3A_215 = tpu.assume_multiple %and3A_214, 8 : i32
      "tpu.region"() ({
        %run_scoped3A = tpu.sem_alloc : memref<!tpu.dma_semaphore, #tpu.memory_space<semaphore_mem>>
        %dma_start3A_285 = tpu.memref_slice %arg2[%multiple_of3A_215] : memref<16384xi32, #tpu.memory_space<hbm>> -> memref<2048xi32, #tpu.memory_space<hbm>>
        %dma_start3A_286 = tpu.memref_slice %arg2[%multiple_of3A_215] : memref<16384xi32, #tpu.memory_space<hbm>> -> memref<2048xi32, #tpu.memory_space<hbm>>
        tpu.enqueue_dma source(%dma_start3A_286 : memref<2048xi32, #tpu.memory_space<hbm>>) target(%arg10 : memref<2048xi32, #tpu.memory_space<vmem>>) target_semaphore(%run_scoped3A : memref<!tpu.dma_semaphore, #tpu.memory_space<semaphore_mem>>)
        %dma_wait3A_287 = tpu.memref_slice %arg2[%multiple_of3A_215] : memref<16384xi32, #tpu.memory_space<hbm>> -> memref<2048xi32, #tpu.memory_space<hbm>>
        %dma_wait3A_288 = tpu.memref_slice %arg2[%multiple_of3A_215] : memref<16384xi32, #tpu.memory_space<hbm>> -> memref<2048xi32, #tpu.memory_space<hbm>>
        tpu.wait_dma2 semaphore(%run_scoped3A : memref<!tpu.dma_semaphore, #tpu.memory_space<semaphore_mem>>) src(%dma_wait3A_288 : memref<2048xi32, #tpu.memory_space<hbm>>) dst(%arg10 : memref<2048xi32, #tpu.memory_space<vmem>>)
        tpu.yield
      }) : () -> ()
      "tpu.region"() ({
        %run_scoped3A = tpu.sem_alloc : memref<!tpu.dma_semaphore, #tpu.memory_space<semaphore_mem>>
        %dma_start3A_285 = tpu.memref_slice %arg3[%multiple_of3A_215] : memref<16384xi32, #tpu.memory_space<hbm>> -> memref<2048xi32, #tpu.memory_space<hbm>>
        %dma_start3A_286 = tpu.memref_slice %arg3[%multiple_of3A_215] : memref<16384xi32, #tpu.memory_space<hbm>> -> memref<2048xi32, #tpu.memory_space<hbm>>
        tpu.enqueue_dma source(%dma_start3A_286 : memref<2048xi32, #tpu.memory_space<hbm>>) target(%arg11 : memref<2048xi32, #tpu.memory_space<vmem>>) target_semaphore(%run_scoped3A : memref<!tpu.dma_semaphore, #tpu.memory_space<semaphore_mem>>)
        %dma_wait3A_287 = tpu.memref_slice %arg3[%multiple_of3A_215] : memref<16384xi32, #tpu.memory_space<hbm>> -> memref<2048xi32, #tpu.memory_space<hbm>>
        %dma_wait3A_288 = tpu.memref_slice %arg3[%multiple_of3A_215] : memref<16384xi32, #tpu.memory_space<hbm>> -> memref<2048xi32, #tpu.memory_space<hbm>>
        tpu.wait_dma2 semaphore(%run_scoped3A : memref<!tpu.dma_semaphore, #tpu.memory_space<semaphore_mem>>) src(%dma_wait3A_288 : memref<2048xi32, #tpu.memory_space<hbm>>) dst(%arg11 : memref<2048xi32, #tpu.memory_space<vmem>>)
        tpu.yield
      }) : () -> ()
      %scan3A_216 = arith.constant 0 : i32
      %scan3A_217 = arith.constant 0 : i32
      %scan3A_218 = arith.constant 16 : i32
      %scan3A_219 = arith.addi %scan3A_217, %scan3A_218 : i32
      %scan3A_220 = arith.constant 1 : i32
      %scan3A_221 = scf.for %scan3A_285 = %scan3A_217 to %scan3A_219 step %scan3A_220 iter_args(%scan3A_286 = %scan3A_216) -> (i32)  : i32 {
        %mul3A_287 = arith.constant 128 : i32
        %mul3A_288 = arith.muli %scan3A_285, %mul3A_287 : i32
        %mul3A_289 = arith.constant 128 : i32
        %mul3A_290 = arith.muli %scan3A_285, %mul3A_289 : i32
        %dma_start3A_291 = tpu.memref_slice %arg12[%mul3A_290] : memref<2048xi32, #tpu.memory_space<vmem>> -> memref<128xi32, #tpu.memory_space<vmem>>
        %dma_start3A_292 = tpu.memref_slice %arg10[%mul3A_288] : memref<2048xi32, #tpu.memory_space<vmem>> -> memref<128xi32, #tpu.memory_space<vmem>>
        %dma_start3A_293 = arith.constant 0 : i32
        %dma_start3A_294 = tpu.memref_slice %arg5[%dma_start3A_293] : memref<1000000xi32, #tpu.memory_space<hbm>> -> memref<1000000xi32, #tpu.memory_space<hbm>>
        tpu.enqueue_indirect_dma source(%dma_start3A_294 : memref<1000000xi32, #tpu.memory_space<hbm>>) target(%dma_start3A_291 : memref<128xi32, #tpu.memory_space<vmem>>) offsets(%dma_start3A_292 : memref<128xi32, #tpu.memory_space<vmem>>) semaphore(%arg15 : memref<!tpu.dma_semaphore, #tpu.memory_space<semaphore_mem>>)
        %scan3A_295 = arith.constant 0 : i32
        scf.yield %scan3A_295 : i32
      }
      %scan3A_222 = arith.constant 16 : i32
      %scan3A_223 = arith.constant 0 : i32
      %scan3A_224 = arith.constant 0 : i32
      %scan3A_225 = arith.constant 16 : i32
      %scan3A_226 = arith.addi %scan3A_224, %scan3A_225 : i32
      %scan3A_227 = arith.constant 1 : i32
      %scan3A_228 = scf.for %scan3A_285 = %scan3A_224 to %scan3A_226 step %scan3A_227 iter_args(%scan3A_286 = %scan3A_223) -> (i32)  : i32 {
        %mul3A_287 = arith.constant 128 : i32
        %mul3A_288 = arith.muli %scan3A_285, %mul3A_287 : i32
        %dma_wait3A_289 = tpu.memref_slice %arg12[%mul3A_288] : memref<2048xi32, #tpu.memory_space<vmem>> -> memref<128xi32, #tpu.memory_space<vmem>>
        %dma_wait3A_290 = arith.constant 0 : i32
        %dma_wait3A_291 = tpu.memref_slice %arg10[%dma_wait3A_290] : memref<2048xi32, #tpu.memory_space<vmem>> -> memref<128xi32, #tpu.memory_space<vmem>>
        %dma_wait3A_292 = arith.constant 0 : i32
        %dma_wait3A_293 = tpu.memref_slice %arg5[%dma_wait3A_292] : memref<1000000xi32, #tpu.memory_space<hbm>> -> memref<1000000xi32, #tpu.memory_space<hbm>>
        tpu.wait_indirect_dma semaphore(%arg15 : memref<!tpu.dma_semaphore, #tpu.memory_space<semaphore_mem>>) src(%dma_wait3A_293 : memref<1000000xi32, #tpu.memory_space<hbm>>) dst(%dma_wait3A_289 : memref<128xi32, #tpu.memory_space<vmem>>)
        %scan3A_294 = arith.constant 0 : i32
        scf.yield %scan3A_294 : i32
      }
      %scan3A_229 = arith.constant 16 : i32
      %add3A_230 = arith.constant 0 : i32
      %add3A_231 = arith.addi %multiple_of3A, %add3A_230 : i32
      %min3A_232 = arith.constant 999552 : i32
      %min3A_233 = arith.minsi %add3A_231, %min3A_232 : i32
      %multiple_of3A_234 = tpu.assume_multiple %min3A_233, 128 : i32
      %dma_start3A_235 = arith.constant 0 : i32
      %dma_start3A_236 = arith.constant 0 : i32
      %dma_start3A_237 = arith.constant 0 : i32
      %dma_start3A_238 = tpu.memref_slice %arg13[%dma_start3A_235, %dma_start3A_236, %dma_start3A_237] : memref<2x64x512xf32, #tpu.memory_space<vmem>> -> memref<1x64x512xf32, #tpu.memory_space<vmem>>
      %dma_start3A_239 = tpu.memref_squeeze %dma_start3A_238 : memref<1x64x512xf32, #tpu.memory_space<vmem>> -> memref<64x512xf32, #tpu.memory_space<vmem>>
      %dma_start3A_240 = arith.constant 0 : i32
      %dma_start3A_241 = tpu.memref_slice %arg4[%dma_start3A_240, %multiple_of3A_234] : memref<64x1000000xf32, #tpu.memory_space<hbm>> -> memref<64x512xf32, #tpu.memory_space<hbm>>
      %dma_start3A_242 = arith.constant 0 : i32
      %dma_start3A_243 = arith.constant 0 : i32
      %dma_start3A_244 = tpu.memref_slice %arg13[%dma_start3A_235, %dma_start3A_242, %dma_start3A_243] : memref<2x64x512xf32, #tpu.memory_space<vmem>> -> memref<1x64x512xf32, #tpu.memory_space<vmem>>
      %dma_start3A_245 = tpu.memref_squeeze %dma_start3A_244 : memref<1x64x512xf32, #tpu.memory_space<vmem>> -> memref<64x512xf32, #tpu.memory_space<vmem>>
      %dma_start3A_246 = arith.constant 0 : i32
      %dma_start3A_247 = tpu.memref_slice %arg4[%dma_start3A_246, %multiple_of3A_234] : memref<64x1000000xf32, #tpu.memory_space<hbm>> -> memref<64x512xf32, #tpu.memory_space<hbm>>
      tpu.enqueue_dma source(%dma_start3A_247 : memref<64x512xf32, #tpu.memory_space<hbm>>) target(%dma_start3A_245 : memref<64x512xf32, #tpu.memory_space<vmem>>) target_semaphore(%arg16 : memref<!tpu.dma_semaphore, #tpu.memory_space<semaphore_mem>>)
      %scan3A_248 = arith.constant 0 : i32
      %scan3A_249 = arith.constant 0 : i32
      %scan3A_250 = arith.constant 0 : i32
      %scan3A_251 = arith.constant 62 : i32
      %scan3A_252 = arith.addi %scan3A_250, %scan3A_251 : i32
      %scan3A_253 = arith.constant 1 : i32
      %scan3A_254:2 = scf.for %scan3A_285 = %scan3A_250 to %scan3A_252 step %scan3A_253 iter_args(%scan3A_286 = %scan3A_248, %scan3A_287 = %scan3A_249) -> (i32, i32)  : i32 {
        %add3A_288 = arith.constant 1 : i32
        %add3A_289 = arith.addi %scan3A_285, %add3A_288 : i32
        %mul3A_290 = arith.constant 512 : i32
        %mul3A_291 = arith.muli %add3A_289, %mul3A_290 : i32
        %add3A_292 = arith.addi %multiple_of3A, %mul3A_291 : i32
        %min3A_293 = arith.constant 999552 : i32
        %min3A_294 = arith.minsi %add3A_292, %min3A_293 : i32
        %multiple_of3A_295 = tpu.assume_multiple %min3A_294, 128 : i32
        %and3A_296 = arith.constant 1 : i32
        %and3A_297 = arith.andi %add3A_289, %and3A_296 : i32
        %dma_start3A_298 = arith.constant 0 : i32
        %dma_start3A_299 = arith.constant 0 : i32
        %dma_start3A_300 = tpu.memref_slice %arg13[%and3A_297, %dma_start3A_298, %dma_start3A_299] : memref<2x64x512xf32, #tpu.memory_space<vmem>> -> memref<1x64x512xf32, #tpu.memory_space<vmem>>
        %dma_start3A_301 = tpu.memref_squeeze %dma_start3A_300 : memref<1x64x512xf32, #tpu.memory_space<vmem>> -> memref<64x512xf32, #tpu.memory_space<vmem>>
        %dma_start3A_302 = arith.constant 0 : i32
        %dma_start3A_303 = tpu.memref_slice %arg4[%dma_start3A_302, %multiple_of3A_295] : memref<64x1000000xf32, #tpu.memory_space<hbm>> -> memref<64x512xf32, #tpu.memory_space<hbm>>
        %dma_start3A_304 = arith.constant 0 : i32
        %dma_start3A_305 = arith.constant 0 : i32
        %dma_start3A_306 = tpu.memref_slice %arg13[%and3A_297, %dma_start3A_304, %dma_start3A_305] : memref<2x64x512xf32, #tpu.memory_space<vmem>> -> memref<1x64x512xf32, #tpu.memory_space<vmem>>
        %dma_start3A_307 = tpu.memref_squeeze %dma_start3A_306 : memref<1x64x512xf32, #tpu.memory_space<vmem>> -> memref<64x512xf32, #tpu.memory_space<vmem>>
        %dma_start3A_308 = arith.constant 0 : i32
        %dma_start3A_309 = tpu.memref_slice %arg4[%dma_start3A_308, %multiple_of3A_295] : memref<64x1000000xf32, #tpu.memory_space<hbm>> -> memref<64x512xf32, #tpu.memory_space<hbm>>
        tpu.enqueue_dma source(%dma_start3A_309 : memref<64x512xf32, #tpu.memory_space<hbm>>) target(%dma_start3A_307 : memref<64x512xf32, #tpu.memory_space<vmem>>) target_semaphore(%arg16 : memref<!tpu.dma_semaphore, #tpu.memory_space<semaphore_mem>>)
        %and3A_310 = arith.constant 1 : i32
        %and3A_311 = arith.andi %scan3A_285, %and3A_310 : i32
        %dma_wait3A_312 = arith.constant 0 : i32
        %dma_wait3A_313 = arith.constant 0 : i32
        %dma_wait3A_314 = tpu.memref_slice %arg13[%and3A_311, %dma_wait3A_312, %dma_wait3A_313] : memref<2x64x512xf32, #tpu.memory_space<vmem>> -> memref<1x64x512xf32, #tpu.memory_space<vmem>>
        %dma_wait3A_315 = tpu.memref_squeeze %dma_wait3A_314 : memref<1x64x512xf32, #tpu.memory_space<vmem>> -> memref<64x512xf32, #tpu.memory_space<vmem>>
        %dma_wait3A_316 = arith.constant 0 : i32
        %dma_wait3A_317 = arith.constant 0 : i32
        %dma_wait3A_318 = tpu.memref_slice %arg4[%dma_wait3A_316, %dma_wait3A_317] : memref<64x1000000xf32, #tpu.memory_space<hbm>> -> memref<64x512xf32, #tpu.memory_space<hbm>>
        %dma_wait3A_319 = arith.constant 0 : i32
        %dma_wait3A_320 = arith.constant 0 : i32
        %dma_wait3A_321 = tpu.memref_slice %arg13[%and3A_311, %dma_wait3A_319, %dma_wait3A_320] : memref<2x64x512xf32, #tpu.memory_space<vmem>> -> memref<1x64x512xf32, #tpu.memory_space<vmem>>
        %dma_wait3A_322 = tpu.memref_squeeze %dma_wait3A_321 : memref<1x64x512xf32, #tpu.memory_space<vmem>> -> memref<64x512xf32, #tpu.memory_space<vmem>>
        %dma_wait3A_323 = arith.constant 0 : i32
        %dma_wait3A_324 = arith.constant 0 : i32
        %dma_wait3A_325 = tpu.memref_slice %arg4[%dma_wait3A_323, %dma_wait3A_324] : memref<64x1000000xf32, #tpu.memory_space<hbm>> -> memref<64x512xf32, #tpu.memory_space<hbm>>
        tpu.wait_dma2 semaphore(%arg16 : memref<!tpu.dma_semaphore, #tpu.memory_space<semaphore_mem>>) src(%dma_wait3A_325 : memref<64x512xf32, #tpu.memory_space<hbm>>) dst(%dma_wait3A_322 : memref<64x512xf32, #tpu.memory_space<vmem>>)
        %mul3A_326 = arith.constant 512 : i32
        %mul3A_327 = arith.muli %scan3A_285, %mul3A_326 : i32
        %add3A_328 = arith.addi %multiple_of3A, %mul3A_327 : i32
        %min3A_329 = arith.constant 999552 : i32
        %min3A_330 = arith.minsi %add3A_328, %min3A_329 : i32
        %multiple_of3A_331 = tpu.assume_multiple %min3A_330, 128 : i32
        %shift_left3A_332 = arith.constant 8 : i32
        %shift_left3A_333 = arith.shli %scan3A_287, %shift_left3A_332 : i32
        %add3A_334 = arith.addi %scan3A_286, %shift_left3A_333 : i32
        %while3A_335 = scf.while (%while3A_342 = %add3A_334) : (i32) -> i32 {
          %and3A_343 = arith.constant 255 : i32
          %and3A_344 = arith.andi %while3A_342, %and3A_343 : i32
          %min3A_345 = arith.constant 127 : i32
          %min3A_346 = arith.minsi %and3A_344, %min3A_345 : i32
          %mul3A_347 = arith.constant 16 : i32
          %mul3A_348 = arith.muli %min3A_346, %mul3A_347 : i32
          %multiple_of3A_349 = tpu.assume_multiple %mul3A_348, 16 : i32
          %get3A_350 = arith.index_cast %multiple_of3A_349 : i32 to index
          %get3A_351 = tpu.vector_load %arg12[%get3A_350] {strides = array<i32>} : memref<2048xi32, #tpu.memory_space<vmem>>, vector<16xi32>,
          %broadcast_in_dim3A_352 = arith.constant 0 : i32
          %broadcast_in_dim3A_353 = vector.broadcast %broadcast_in_dim3A_352 : i32 to vector<16xi32>
          %lt3A_354 = arith.constant 0 : i32
          %lt3A_355 = vector.broadcast %lt3A_354 : i32 to vector<16xi32>
          %lt3A_356 = arith.cmpi slt, %broadcast_in_dim3A_353, %lt3A_355 : vector<16xi32>
          %add3A_357 = arith.constant 16 : i32
          %add3A_358 = vector.broadcast %add3A_357 : i32 to vector<16xi32>
          %add3A_359 = arith.addi %broadcast_in_dim3A_353, %add3A_358 : vector<16xi32>
          %select_n3A_360 = arith.select %lt3A_356, %add3A_359, %broadcast_in_dim3A_353 : vector<16xi1>, vector<16xi32>
          %broadcast_in_dim3A_361 = vector.shape_cast %select_n3A_360 : vector<16xi32> to vector<16x1xi32>
          %gather3A_362 = vector.shape_cast %broadcast_in_dim3A_361 : vector<16x1xi32> to vector<16xi32>
          %gather3A_363 = tpu.dynamic_gather %get3A_351[%gather3A_362] in [0] : vector<16xi32>, vector<16xi32> -> vector<16xi32>
          %slice3A_364 = vector.extract_strided_slice %gather3A_363 {offsets = [0], sizes = [1], strides = [1]} : vector<16xi32> to vector<1xi32>
          %squeeze3A_365 = vector.extract %slice3A_364[0] : i32 from vector<1xi32>
          %shift_right_arithmetic3A_366 = arith.constant 14 : i32
          %shift_right_arithmetic3A_367 = arith.shrsi %while3A_342, %shift_right_arithmetic3A_366 : i32
          %eq3A = arith.constant 0 : i32
          %eq3A_368 = arith.cmpi eq, %shift_right_arithmetic3A_367, %eq3A : i32
          %lt3A_369 = arith.constant 128 : i32
          %lt3A_370 = arith.cmpi slt, %and3A_344, %lt3A_369 : i32
          %and3A_371 = arith.andi %eq3A_368, %lt3A_370 : i1
          %add3A_372 = arith.constant 512 : i32
          %add3A_373 = arith.addi %multiple_of3A_331, %add3A_372 : i32
          %lt3A_374 = arith.cmpi slt, %squeeze3A_365, %add3A_373 : i32
          %and3A_375 = arith.andi %and3A_371, %lt3A_374 : i1
          scf.condition(%and3A_375) %while3A_342 : i32
        } do {
        ^bb0(%while3A_342: i32):
          %and3A_343 = arith.constant 255 : i32
          %and3A_344 = arith.andi %while3A_342, %and3A_343 : i32
          %shift_right_arithmetic3A_345 = arith.constant 8 : i32
          %shift_right_arithmetic3A_346 = arith.shrsi %while3A_342, %shift_right_arithmetic3A_345 : i32
          %and3A_347 = arith.constant 63 : i32
          %and3A_348 = arith.andi %shift_right_arithmetic3A_346, %and3A_347 : i32
          %min3A_349 = arith.constant 127 : i32
          %min3A_350 = arith.minsi %and3A_344, %min3A_349 : i32
          %mul3A_351 = arith.constant 16 : i32
          %mul3A_352 = arith.muli %min3A_350, %mul3A_351 : i32
          %multiple_of3A_353 = tpu.assume_multiple %mul3A_352, 16 : i32
          %get3A_354 = arith.index_cast %multiple_of3A_353 : i32 to index
          %get3A_355 = tpu.vector_load %arg12[%get3A_354] {strides = array<i32>} : memref<2048xi32, #tpu.memory_space<vmem>>, vector<16xi32>,
          %get3A_356 = arith.index_cast %multiple_of3A_353 : i32 to index
          %get3A_357 = tpu.vector_load %arg11[%get3A_356] {strides = array<i32>} : memref<2048xi32, #tpu.memory_space<vmem>>, vector<16xi32>,
          %ge3A = vector.broadcast %multiple_of3A_331 : i32 to vector<16xi32>
          %ge3A_358 = arith.cmpi sge, %get3A_355, %ge3A : vector<16xi32>
          %add3A_359 = arith.constant 512 : i32
          %add3A_360 = arith.addi %multiple_of3A_331, %add3A_359 : i32
          %lt3A_361 = vector.broadcast %add3A_360 : i32 to vector<16xi32>
          %lt3A_362 = arith.cmpi slt, %get3A_355, %lt3A_361 : vector<16xi32>
          %and3A_363 = arith.andi %ge3A_358, %lt3A_362 : vector<16xi1>
          %lt3A_364 = vector.broadcast %multiple_of3A_331 : i32 to vector<16xi32>
          %lt3A_365 = arith.cmpi slt, %get3A_355, %lt3A_364 : vector<16xi32>
          %all_reduce_population_count3A = tpu.all_reduce %lt3A_365 {dim = 0 : i64, kind = #tpu.reduction_kind<sum>} : vector<16xi1> -> vector<16xi32>
          %slice3A_366 = vector.extract_strided_slice %all_reduce_population_count3A {offsets = [0], sizes = [1], strides = [1]} : vector<16xi32> to vector<1xi32>
          %squeeze3A_367 = vector.extract %slice3A_366[0] : i32 from vector<1xi32>
          %all_reduce_population_count3A_368 = tpu.all_reduce %and3A_363 {dim = 0 : i64, kind = #tpu.reduction_kind<sum>} : vector<16xi1> -> vector<16xi32>
          %slice3A_369 = vector.extract_strided_slice %all_reduce_population_count3A_368 {offsets = [0], sizes = [1], strides = [1]} : vector<16xi32> to vector<1xi32>
          %squeeze3A_370 = vector.extract %slice3A_369[0] : i32 from vector<1xi32>
          %while3A_371 = arith.constant 0 : i32
          %while3A_372 = arith.subi %squeeze3A_370, %while3A_371 : i32
          %while3A_373 = arith.addi %while3A_371, %while3A_372 : i32
          %while3A_374 = arith.constant 1 : i32
          %while3A_375 = arith.divsi %while3A_372, %while3A_374 : i32
          %while3A_376 = arith.muli %while3A_375, %while3A_374 : i32
          %while3A_377 = arith.addi %while3A_371, %while3A_376 : i32
          %while3A_378 = arith.constant 1 : i32
          %while3A_379 = scf.for %while3A_402 = %while3A_371 to %while3A_377 step %while3A_378 iter_args(%while3A_403 = %and3A_348) -> (i32)  : i32 {
            %add3A_404 = arith.addi %squeeze3A_367, %while3A_402 : i32
            %broadcast_in_dim3A_405 = vector.broadcast %add3A_404 : i32 to vector<16xi32>
            %lt3A_406 = arith.constant 0 : i32
            %lt3A_407 = vector.broadcast %lt3A_406 : i32 to vector<16xi32>
            %lt3A_408 = arith.cmpi slt, %broadcast_in_dim3A_405, %lt3A_407 : vector<16xi32>
            %add3A_409 = arith.constant 16 : i32
            %add3A_410 = vector.broadcast %add3A_409 : i32 to vector<16xi32>
            %add3A_411 = arith.addi %broadcast_in_dim3A_405, %add3A_410 : vector<16xi32>
            %select_n3A_412 = arith.select %lt3A_408, %add3A_411, %broadcast_in_dim3A_405 : vector<16xi1>, vector<16xi32>
            %broadcast_in_dim3A_413 = vector.shape_cast %select_n3A_412 : vector<16xi32> to vector<16x1xi32>
            %gather3A_414 = vector.shape_cast %broadcast_in_dim3A_413 : vector<16x1xi32> to vector<16xi32>
            %gather3A_415 = tpu.dynamic_gather %get3A_355[%gather3A_414] in [0] : vector<16xi32>, vector<16xi32> -> vector<16xi32>
            %slice3A_416 = vector.extract_strided_slice %gather3A_415 {offsets = [0], sizes = [1], strides = [1]} : vector<16xi32> to vector<1xi32>
            %squeeze3A_417 = vector.extract %slice3A_416[0] : i32 from vector<1xi32>
            %sub3A_418 = arith.subi %squeeze3A_417, %multiple_of3A_331 : i32
            %broadcast_in_dim3A_419 = vector.broadcast %add3A_404 : i32 to vector<16xi32>
            %lt3A_420 = arith.constant 0 : i32
            %lt3A_421 = vector.broadcast %lt3A_420 : i32 to vector<16xi32>
            %lt3A_422 = arith.cmpi slt, %broadcast_in_dim3A_419, %lt3A_421 : vector<16xi32>
            %add3A_423 = arith.constant 16 : i32
            %add3A_424 = vector.broadcast %add3A_423 : i32 to vector<16xi32>
            %add3A_425 = arith.addi %broadcast_in_dim3A_419, %add3A_424 : vector<16xi32>
            %select_n3A_426 = arith.select %lt3A_422, %add3A_425, %broadcast_in_dim3A_419 : vector<16xi1>, vector<16xi32>
            %broadcast_in_dim3A_427 = vector.shape_cast %select_n3A_426 : vector<16xi32> to vector<16x1xi32>
            %gather3A_428 = vector.shape_cast %broadcast_in_dim3A_427 : vector<16x1xi32> to vector<16xi32>
            %gather3A_429 = tpu.dynamic_gather %get3A_357[%gather3A_428] in [0] : vector<16xi32>, vector<16xi32> -> vector<16xi32>
            %slice3A_430 = vector.extract_strided_slice %gather3A_429 {offsets = [0], sizes = [1], strides = [1]} : vector<16xi32> to vector<1xi32>
            %squeeze3A_431 = vector.extract %slice3A_430[0] : i32 from vector<1xi32>
            %and3A_432 = arith.constant 31 : i32
            %and3A_433 = arith.andi %while3A_403, %and3A_432 : i32
            %dma_wait3A_434 = arith.constant 0 : i32
            %dma_wait3A_435 = tpu.memref_slice %arg14[%dma_wait3A_434] : memref<2048xf32, #tpu.memory_space<vmem>> -> memref<64xf32, #tpu.memory_space<vmem>>
            %dma_wait3A_436 = arith.constant 0 : i32
            %dma_wait3A_437 = tpu.memref_slice %arg14[%dma_wait3A_436] : memref<2048xf32, #tpu.memory_space<vmem>> -> memref<64xf32, #tpu.memory_space<vmem>>
            tpu.wait_dma2 semaphore(%arg17 : memref<!tpu.dma_semaphore, #tpu.memory_space<semaphore_mem>>) src(%dma_wait3A_437 : memref<64xf32, #tpu.memory_space<vmem>>) dst(%arg8 : memref<64xf32, #tpu.memory_space<hbm>>)
            %and3A_438 = arith.constant 1 : i32
            %and3A_439 = arith.andi %scan3A_285, %and3A_438 : i32
            %broadcast_in_dim3A_440 = vector.broadcast %and3A_439 : i32 to vector<16xi32>
            %add3A_441 = arith.constant 0 : i32
            %add3A_442 = vector.broadcast %add3A_441 : i32 to vector<16xi32>
            %add3A_443 = arith.addi %iota3A, %add3A_442 : vector<16xi32>
            %broadcast_in_dim3A_444 = vector.broadcast %sub3A_418 : i32 to vector<16xi32>
            %gather3A_445 = tpu.vector_load_idx %arg13[%broadcast_in_dim3A_440, %add3A_443, %broadcast_in_dim3A_444] : memref<2x64x512xf32, #tpu.memory_space<vmem>>[vector<16xi32>, vector<16xi32>, vector<16xi32>], vector<16xf32>,
            %mul3A_446 = arith.constant 64 : i32
            %mul3A_447 = arith.muli %and3A_433, %mul3A_446 : i32
            %add3A_448 = arith.constant 0 : i32
            %add3A_449 = arith.addi %mul3A_447, %add3A_448 : i32
            %multiple_of3A_450 = tpu.assume_multiple %add3A_449, 16 : i32
            %swap3A = arith.index_cast %multiple_of3A_450 : i32 to index
            %swap3A_451 = tpu.vector_load %arg14[%swap3A] {strides = array<i32>} : memref<2048xf32, #tpu.memory_space<vmem>>, vector<16xf32>,
            tpu.vector_store %arg14[%swap3A], %gather3A_445 {strides = array<i32>} : memref<2048xf32, #tpu.memory_space<vmem>>, vector<16xf32>,
            %and3A_452 = arith.constant 1 : i32
            %and3A_453 = arith.andi %scan3A_285, %and3A_452 : i32
            %broadcast_in_dim3A_454 = vector.broadcast %and3A_453 : i32 to vector<16xi32>
            %add3A_455 = arith.constant 16 : i32
            %add3A_456 = vector.broadcast %add3A_455 : i32 to vector<16xi32>
            %add3A_457 = arith.addi %iota3A, %add3A_456 : vector<16xi32>
            %broadcast_in_dim3A_458 = vector.broadcast %sub3A_418 : i32 to vector<16xi32>
            %gather3A_459 = tpu.vector_load_idx %arg13[%broadcast_in_dim3A_454, %add3A_457, %broadcast_in_dim3A_458] : memref<2x64x512xf32, #tpu.memory_space<vmem>>[vector<16xi32>, vector<16xi32>, vector<16xi32>], vector<16xf32>,
            %mul3A_460 = arith.constant 64 : i32
            %mul3A_461 = arith.muli %and3A_433, %mul3A_460 : i32
            %add3A_462 = arith.constant 16 : i32
            %add3A_463 = arith.addi %mul3A_461, %add3A_462 : i32
            %multiple_of3A_464 = tpu.assume_multiple %add3A_463, 16 : i32
            %swap3A_465 = arith.index_cast %multiple_of3A_464 : i32 to index
            %swap3A_466 = tpu.vector_load %arg14[%swap3A_465] {strides = array<i32>} : memref<2048xf32, #tpu.memory_space<vmem>>, vector<16xf32>,
            tpu.vector_store %arg14[%swap3A_465], %gather3A_459 {strides = array<i32>} : memref<2048xf32, #tpu.memory_space<vmem>>, vector<16xf32>,
            %and3A_467 = arith.constant 1 : i32
            %and3A_468 = arith.andi %scan3A_285, %and3A_467 : i32
            %broadcast_in_dim3A_469 = vector.broadcast %and3A_468 : i32 to vector<16xi32>
            %add3A_470 = arith.constant 32 : i32
            %add3A_471 = vector.broadcast %add3A_470 : i32 to vector<16xi32>
            %add3A_472 = arith.addi %iota3A, %add3A_471 : vector<16xi32>
            %broadcast_in_dim3A_473 = vector.broadcast %sub3A_418 : i32 to vector<16xi32>
            %gather3A_474 = tpu.vector_load_idx %arg13[%broadcast_in_dim3A_469, %add3A_472, %broadcast_in_dim3A_473] : memref<2x64x512xf32, #tpu.memory_space<vmem>>[vector<16xi32>, vector<16xi32>, vector<16xi32>], vector<16xf32>,
            %mul3A_475 = arith.constant 64 : i32
            %mul3A_476 = arith.muli %and3A_433, %mul3A_475 : i32
            %add3A_477 = arith.constant 32 : i32
            %add3A_478 = arith.addi %mul3A_476, %add3A_477 : i32
            %multiple_of3A_479 = tpu.assume_multiple %add3A_478, 16 : i32
            %swap3A_480 = arith.index_cast %multiple_of3A_479 : i32 to index
            %swap3A_481 = tpu.vector_load %arg14[%swap3A_480] {strides = array<i32>} : memref<2048xf32, #tpu.memory_space<vmem>>, vector<16xf32>,
            tpu.vector_store %arg14[%swap3A_480], %gather3A_474 {strides = array<i32>} : memref<2048xf32, #tpu.memory_space<vmem>>, vector<16xf32>,
            %and3A_482 = arith.constant 1 : i32
            %and3A_483 = arith.andi %scan3A_285, %and3A_482 : i32
            %broadcast_in_dim3A_484 = vector.broadcast %and3A_483 : i32 to vector<16xi32>
            %add3A_485 = arith.constant 48 : i32
            %add3A_486 = vector.broadcast %add3A_485 : i32 to vector<16xi32>
            %add3A_487 = arith.addi %iota3A, %add3A_486 : vector<16xi32>
            %broadcast_in_dim3A_488 = vector.broadcast %sub3A_418 : i32 to vector<16xi32>
            %gather3A_489 = tpu.vector_load_idx %arg13[%broadcast_in_dim3A_484, %add3A_487, %broadcast_in_dim3A_488] : memref<2x64x512xf32, #tpu.memory_space<vmem>>[vector<16xi32>, vector<16xi32>, vector<16xi32>], vector<16xf32>,
            %mul3A_490 = arith.constant 64 : i32
            %mul3A_491 = arith.muli %and3A_433, %mul3A_490 : i32
            %add3A_492 = arith.constant 48 : i32
            %add3A_493 = arith.addi %mul3A_491, %add3A_492 : i32
            %multiple_of3A_494 = tpu.assume_multiple %add3A_493, 16 : i32
            %swap3A_495 = arith.index_cast %multiple_of3A_494 : i32 to index
            %swap3A_496 = tpu.vector_load %arg14[%swap3A_495] {strides = array<i32>} : memref<2048xf32, #tpu.memory_space<vmem>>, vector<16xf32>,
            tpu.vector_store %arg14[%swap3A_495], %gather3A_489 {strides = array<i32>} : memref<2048xf32, #tpu.memory_space<vmem>>, vector<16xf32>,
            %mul3A_497 = arith.constant 64 : i32
            %mul3A_498 = arith.muli %and3A_433, %mul3A_497 : i32
            %multiple_of3A_499 = tpu.assume_multiple %mul3A_498, 64 : i32
            %mul3A_500 = arith.constant 64 : i32
            %mul3A_501 = arith.muli %squeeze3A_431, %mul3A_500 : i32
            %multiple_of3A_502 = tpu.assume_multiple %mul3A_501, 64 : i32
            %dma_start3A_503 = tpu.memref_slice %arg14[%multiple_of3A_499] : memref<2048xf32, #tpu.memory_space<vmem>> -> memref<64xf32, #tpu.memory_space<vmem>>
            %dma_start3A_504 = tpu.memref_slice %arg7[%multiple_of3A_502] : memref<1048576xf32, #tpu.memory_space<hbm>> -> memref<64xf32, #tpu.memory_space<hbm>>
            %dma_start3A_505 = tpu.memref_slice %arg7[%multiple_of3A_502] : memref<1048576xf32, #tpu.memory_space<hbm>> -> memref<64xf32, #tpu.memory_space<hbm>>
            %dma_start3A_506 = tpu.memref_slice %arg14[%multiple_of3A_499] : memref<2048xf32, #tpu.memory_space<vmem>> -> memref<64xf32, #tpu.memory_space<vmem>>
            tpu.enqueue_dma source(%dma_start3A_506 : memref<64xf32, #tpu.memory_space<vmem>>) target(%dma_start3A_505 : memref<64xf32, #tpu.memory_space<hbm>>) target_semaphore(%arg17 : memref<!tpu.dma_semaphore, #tpu.memory_space<semaphore_mem>>)
            %add3A_507 = arith.constant 1 : i32
            %add3A_508 = arith.addi %while3A_403, %add3A_507 : i32
            %and3A_509 = arith.constant 63 : i32
            %and3A_510 = arith.andi %add3A_508, %and3A_509 : i32
            scf.yield %and3A_510 : i32
          }
          %while3A_380 = arith.constant 1 : i32
          %while3A_381 = scf.for %while3A_402 = %while3A_377 to %while3A_373 step %while3A_380 iter_args(%while3A_403 = %while3A_379) -> (i32)  : i32 {
            %add3A_404 = arith.addi %squeeze3A_367, %while3A_402 : i32
            %broadcast_in_dim3A_405 = vector.broadcast %add3A_404 : i32 to vector<16xi32>
            %lt3A_406 = arith.constant 0 : i32
            %lt3A_407 = vector.broadcast %lt3A_406 : i32 to vector<16xi32>
            %lt3A_408 = arith.cmpi slt, %broadcast_in_dim3A_405, %lt3A_407 : vector<16xi32>
            %add3A_409 = arith.constant 16 : i32
            %add3A_410 = vector.broadcast %add3A_409 : i32 to vector<16xi32>
            %add3A_411 = arith.addi %broadcast_in_dim3A_405, %add3A_410 : vector<16xi32>
            %select_n3A_412 = arith.select %lt3A_408, %add3A_411, %broadcast_in_dim3A_405 : vector<16xi1>, vector<16xi32>
            %broadcast_in_dim3A_413 = vector.shape_cast %select_n3A_412 : vector<16xi32> to vector<16x1xi32>
            %gather3A_414 = vector.shape_cast %broadcast_in_dim3A_413 : vector<16x1xi32> to vector<16xi32>
            %gather3A_415 = tpu.dynamic_gather %get3A_355[%gather3A_414] in [0] : vector<16xi32>, vector<16xi32> -> vector<16xi32>
            %slice3A_416 = vector.extract_strided_slice %gather3A_415 {offsets = [0], sizes = [1], strides = [1]} : vector<16xi32> to vector<1xi32>
            %squeeze3A_417 = vector.extract %slice3A_416[0] : i32 from vector<1xi32>
            %sub3A_418 = arith.subi %squeeze3A_417, %multiple_of3A_331 : i32
            %broadcast_in_dim3A_419 = vector.broadcast %add3A_404 : i32 to vector<16xi32>
            %lt3A_420 = arith.constant 0 : i32
            %lt3A_421 = vector.broadcast %lt3A_420 : i32 to vector<16xi32>
            %lt3A_422 = arith.cmpi slt, %broadcast_in_dim3A_419, %lt3A_421 : vector<16xi32>
            %add3A_423 = arith.constant 16 : i32
            %add3A_424 = vector.broadcast %add3A_423 : i32 to vector<16xi32>
            %add3A_425 = arith.addi %broadcast_in_dim3A_419, %add3A_424 : vector<16xi32>
            %select_n3A_426 = arith.select %lt3A_422, %add3A_425, %broadcast_in_dim3A_419 : vector<16xi1>, vector<16xi32>
            %broadcast_in_dim3A_427 = vector.shape_cast %select_n3A_426 : vector<16xi32> to vector<16x1xi32>
            %gather3A_428 = vector.shape_cast %broadcast_in_dim3A_427 : vector<16x1xi32> to vector<16xi32>
            %gather3A_429 = tpu.dynamic_gather %get3A_357[%gather3A_428] in [0] : vector<16xi32>, vector<16xi32> -> vector<16xi32>
            %slice3A_430 = vector.extract_strided_slice %gather3A_429 {offsets = [0], sizes = [1], strides = [1]} : vector<16xi32> to vector<1xi32>
            %squeeze3A_431 = vector.extract %slice3A_430[0] : i32 from vector<1xi32>
            %and3A_432 = arith.constant 31 : i32
            %and3A_433 = arith.andi %while3A_403, %and3A_432 : i32
            %dma_wait3A_434 = arith.constant 0 : i32
            %dma_wait3A_435 = tpu.memref_slice %arg14[%dma_wait3A_434] : memref<2048xf32, #tpu.memory_space<vmem>> -> memref<64xf32, #tpu.memory_space<vmem>>
            %dma_wait3A_436 = arith.constant 0 : i32
            %dma_wait3A_437 = tpu.memref_slice %arg14[%dma_wait3A_436] : memref<2048xf32, #tpu.memory_space<vmem>> -> memref<64xf32, #tpu.memory_space<vmem>>
            tpu.wait_dma2 semaphore(%arg17 : memref<!tpu.dma_semaphore, #tpu.memory_space<semaphore_mem>>) src(%dma_wait3A_437 : memref<64xf32, #tpu.memory_space<vmem>>) dst(%arg8 : memref<64xf32, #tpu.memory_space<hbm>>)
            %and3A_438 = arith.constant 1 : i32
            %and3A_439 = arith.andi %scan3A_285, %and3A_438 : i32
            %broadcast_in_dim3A_440 = vector.broadcast %and3A_439 : i32 to vector<16xi32>
            %add3A_441 = arith.constant 0 : i32
            %add3A_442 = vector.broadcast %add3A_441 : i32 to vector<16xi32>
            %add3A_443 = arith.addi %iota3A, %add3A_442 : vector<16xi32>
            %broadcast_in_dim3A_444 = vector.broadcast %sub3A_418 : i32 to vector<16xi32>
            %gather3A_445 = tpu.vector_load_idx %arg13[%broadcast_in_dim3A_440, %add3A_443, %broadcast_in_dim3A_444] : memref<2x64x512xf32, #tpu.memory_space<vmem>>[vector<16xi32>, vector<16xi32>, vector<16xi32>], vector<16xf32>,
            %mul3A_446 = arith.constant 64 : i32
            %mul3A_447 = arith.muli %and3A_433, %mul3A_446 : i32
            %add3A_448 = arith.constant 0 : i32
            %add3A_449 = arith.addi %mul3A_447, %add3A_448 : i32
            %multiple_of3A_450 = tpu.assume_multiple %add3A_449, 16 : i32
            %swap3A = arith.index_cast %multiple_of3A_450 : i32 to index
            %swap3A_451 = tpu.vector_load %arg14[%swap3A] {strides = array<i32>} : memref<2048xf32, #tpu.memory_space<vmem>>, vector<16xf32>,
            tpu.vector_store %arg14[%swap3A], %gather3A_445 {strides = array<i32>} : memref<2048xf32, #tpu.memory_space<vmem>>, vector<16xf32>,
            %and3A_452 = arith.constant 1 : i32
            %and3A_453 = arith.andi %scan3A_285, %and3A_452 : i32
            %broadcast_in_dim3A_454 = vector.broadcast %and3A_453 : i32 to vector<16xi32>
            %add3A_455 = arith.constant 16 : i32
            %add3A_456 = vector.broadcast %add3A_455 : i32 to vector<16xi32>
            %add3A_457 = arith.addi %iota3A, %add3A_456 : vector<16xi32>
            %broadcast_in_dim3A_458 = vector.broadcast %sub3A_418 : i32 to vector<16xi32>
            %gather3A_459 = tpu.vector_load_idx %arg13[%broadcast_in_dim3A_454, %add3A_457, %broadcast_in_dim3A_458] : memref<2x64x512xf32, #tpu.memory_space<vmem>>[vector<16xi32>, vector<16xi32>, vector<16xi32>], vector<16xf32>,
            %mul3A_460 = arith.constant 64 : i32
            %mul3A_461 = arith.muli %and3A_433, %mul3A_460 : i32
            %add3A_462 = arith.constant 16 : i32
            %add3A_463 = arith.addi %mul3A_461, %add3A_462 : i32
            %multiple_of3A_464 = tpu.assume_multiple %add3A_463, 16 : i32
            %swap3A_465 = arith.index_cast %multiple_of3A_464 : i32 to index
            %swap3A_466 = tpu.vector_load %arg14[%swap3A_465] {strides = array<i32>} : memref<2048xf32, #tpu.memory_space<vmem>>, vector<16xf32>,
            tpu.vector_store %arg14[%swap3A_465], %gather3A_459 {strides = array<i32>} : memref<2048xf32, #tpu.memory_space<vmem>>, vector<16xf32>,
            %and3A_467 = arith.constant 1 : i32
            %and3A_468 = arith.andi %scan3A_285, %and3A_467 : i32
            %broadcast_in_dim3A_469 = vector.broadcast %and3A_468 : i32 to vector<16xi32>
            %add3A_470 = arith.constant 32 : i32
            %add3A_471 = vector.broadcast %add3A_470 : i32 to vector<16xi32>
            %add3A_472 = arith.addi %iota3A, %add3A_471 : vector<16xi32>
            %broadcast_in_dim3A_473 = vector.broadcast %sub3A_418 : i32 to vector<16xi32>
            %gather3A_474 = tpu.vector_load_idx %arg13[%broadcast_in_dim3A_469, %add3A_472, %broadcast_in_dim3A_473] : memref<2x64x512xf32, #tpu.memory_space<vmem>>[vector<16xi32>, vector<16xi32>, vector<16xi32>], vector<16xf32>,
            %mul3A_475 = arith.constant 64 : i32
            %mul3A_476 = arith.muli %and3A_433, %mul3A_475 : i32
            %add3A_477 = arith.constant 32 : i32
            %add3A_478 = arith.addi %mul3A_476, %add3A_477 : i32
            %multiple_of3A_479 = tpu.assume_multiple %add3A_478, 16 : i32
            %swap3A_480 = arith.index_cast %multiple_of3A_479 : i32 to index
            %swap3A_481 = tpu.vector_load %arg14[%swap3A_480] {strides = array<i32>} : memref<2048xf32, #tpu.memory_space<vmem>>, vector<16xf32>,
            tpu.vector_store %arg14[%swap3A_480], %gather3A_474 {strides = array<i32>} : memref<2048xf32, #tpu.memory_space<vmem>>, vector<16xf32>,
            %and3A_482 = arith.constant 1 : i32
            %and3A_483 = arith.andi %scan3A_285, %and3A_482 : i32
            %broadcast_in_dim3A_484 = vector.broadcast %and3A_483 : i32 to vector<16xi32>
            %add3A_485 = arith.constant 48 : i32
            %add3A_486 = vector.broadcast %add3A_485 : i32 to vector<16xi32>
            %add3A_487 = arith.addi %iota3A, %add3A_486 : vector<16xi32>
            %broadcast_in_dim3A_488 = vector.broadcast %sub3A_418 : i32 to vector<16xi32>
            %gather3A_489 = tpu.vector_load_idx %arg13[%broadcast_in_dim3A_484, %add3A_487, %broadcast_in_dim3A_488] : memref<2x64x512xf32, #tpu.memory_space<vmem>>[vector<16xi32>, vector<16xi32>, vector<16xi32>], vector<16xf32>,
            %mul3A_490 = arith.constant 64 : i32
            %mul3A_491 = arith.muli %and3A_433, %mul3A_490 : i32
            %add3A_492 = arith.constant 48 : i32
            %add3A_493 = arith.addi %mul3A_491, %add3A_492 : i32
            %multiple_of3A_494 = tpu.assume_multiple %add3A_493, 16 : i32
            %swap3A_495 = arith.index_cast %multiple_of3A_494 : i32 to index
            %swap3A_496 = tpu.vector_load %arg14[%swap3A_495] {strides = array<i32>} : memref<2048xf32, #tpu.memory_space<vmem>>, vector<16xf32>,
            tpu.vector_store %arg14[%swap3A_495], %gather3A_489 {strides = array<i32>} : memref<2048xf32, #tpu.memory_space<vmem>>, vector<16xf32>,
            %mul3A_497 = arith.constant 64 : i32
            %mul3A_498 = arith.muli %and3A_433, %mul3A_497 : i32
            %multiple_of3A_499 = tpu.assume_multiple %mul3A_498, 64 : i32
            %mul3A_500 = arith.constant 64 : i32
            %mul3A_501 = arith.muli %squeeze3A_431, %mul3A_500 : i32
            %multiple_of3A_502 = tpu.assume_multiple %mul3A_501, 64 : i32
            %dma_start3A_503 = tpu.memref_slice %arg14[%multiple_of3A_499] : memref<2048xf32, #tpu.memory_space<vmem>> -> memref<64xf32, #tpu.memory_space<vmem>>
            %dma_start3A_504 = tpu.memref_slice %arg7[%multiple_of3A_502] : memref<1048576xf32, #tpu.memory_space<hbm>> -> memref<64xf32, #tpu.memory_space<hbm>>
            %dma_start3A_505 = tpu.memref_slice %arg7[%multiple_of3A_502] : memref<1048576xf32, #tpu.memory_space<hbm>> -> memref<64xf32, #tpu.memory_space<hbm>>
            %dma_start3A_506 = tpu.memref_slice %arg14[%multiple_of3A_499] : memref<2048xf32, #tpu.memory_space<vmem>> -> memref<64xf32, #tpu.memory_space<vmem>>
            tpu.enqueue_dma source(%dma_start3A_506 : memref<64xf32, #tpu.memory_space<vmem>>) target(%dma_start3A_505 : memref<64xf32, #tpu.memory_space<hbm>>) target_semaphore(%arg17 : memref<!tpu.dma_semaphore, #tpu.memory_space<semaphore_mem>>)
            %add3A_507 = arith.constant 1 : i32
            %add3A_508 = arith.addi %while3A_403, %add3A_507 : i32
            %and3A_509 = arith.constant 63 : i32
            %and3A_510 = arith.andi %add3A_508, %and3A_509 : i32
            scf.yield %and3A_510 : i32
          }
          %add3A_382 = arith.constant 512 : i32
          %add3A_383 = arith.addi %multiple_of3A_331, %add3A_382 : i32
          %lt3A_384 = vector.broadcast %add3A_383 : i32 to vector<16xi32>
          %lt3A_385 = arith.cmpi slt, %get3A_355, %lt3A_384 : vector<16xi32>
          %all_reduce_population_count3A_386 = tpu.all_reduce %lt3A_385 {dim = 0 : i64, kind = #tpu.reduction_kind<sum>} : vector<16xi1> -> vector<16xi32>
          %slice3A_387 = vector.extract_strided_slice %all_reduce_population_count3A_386 {offsets = [0], sizes = [1], strides = [1]} : vector<16xi32> to vector<1xi32>
          %squeeze3A_388 = vector.extract %slice3A_387[0] : i32 from vector<1xi32>
          %eq3A = arith.constant 16 : i32
          %eq3A_389 = arith.cmpi eq, %squeeze3A_388, %eq3A : i32
          %add3A_390 = arith.constant 1 : i32
          %add3A_391 = arith.addi %and3A_344, %add3A_390 : i32
          %select_n3A_392 = arith.select %eq3A_389, %add3A_391, %and3A_344 : i32
          %jit3A_393 = arith.constant 0 : i32
          %jit3A_394 = arith.constant 1 : i32
          %select_n3A_395 = arith.select %eq3A_389, %jit3A_393, %jit3A_394 : i32
          %shift_left3A_396 = arith.constant 8 : i32
          %shift_left3A_397 = arith.shli %while3A_381, %shift_left3A_396 : i32
          %add3A_398 = arith.addi %select_n3A_392, %shift_left3A_397 : i32
          %shift_left3A_399 = arith.constant 14 : i32
          %shift_left3A_400 = arith.shli %select_n3A_395, %shift_left3A_399 : i32
          %add3A_401 = arith.addi %add3A_398, %shift_left3A_400 : i32
          scf.yield %add3A_401 : i32
        }
        %and3A_336 = arith.constant 255 : i32
        %and3A_337 = arith.andi %while3A_335, %and3A_336 : i32
        %shift_right_arithmetic3A_338 = arith.constant 8 : i32
        %shift_right_arithmetic3A_339 = arith.shrsi %while3A_335, %shift_right_arithmetic3A_338 : i32
        %and3A_340 = arith.constant 63 : i32
        %and3A_341 = arith.andi %shift_right_arithmetic3A_339, %and3A_340 : i32
        scf.yield %and3A_337, %and3A_341 : i32, i32
      }
      %scan3A_255 = arith.constant 62 : i32
      %dma_wait3A = arith.constant 0 : i32
      %dma_wait3A_256 = arith.constant 0 : i32
      %dma_wait3A_257 = arith.constant 0 : i32
      %dma_wait3A_258 = tpu.memref_slice %arg13[%dma_wait3A, %dma_wait3A_256, %dma_wait3A_257] : memref<2x64x512xf32, #tpu.memory_space<vmem>> -> memref<1x64x512xf32, #tpu.memory_space<vmem>>
      %dma_wait3A_259 = tpu.memref_squeeze %dma_wait3A_258 : memref<1x64x512xf32, #tpu.memory_space<vmem>> -> memref<64x512xf32, #tpu.memory_space<vmem>>
      %dma_wait3A_260 = arith.constant 0 : i32
      %dma_wait3A_261 = arith.constant 0 : i32
      %dma_wait3A_262 = tpu.memref_slice %arg4[%dma_wait3A_260, %dma_wait3A_261] : memref<64x1000000xf32, #tpu.memory_space<hbm>> -> memref<64x512xf32, #tpu.memory_space<hbm>>
      %dma_wait3A_263 = arith.constant 0 : i32
      %dma_wait3A_264 = arith.constant 0 : i32
      %dma_wait3A_265 = tpu.memref_slice %arg13[%dma_wait3A, %dma_wait3A_263, %dma_wait3A_264] : memref<2x64x512xf32, #tpu.memory_space<vmem>> -> memref<1x64x512xf32, #tpu.memory_space<vmem>>
      %dma_wait3A_266 = tpu.memref_squeeze %dma_wait3A_265 : memref<1x64x512xf32, #tpu.memory_space<vmem>> -> memref<64x512xf32, #tpu.memory_space<vmem>>
      %dma_wait3A_267 = arith.constant 0 : i32
      %dma_wait3A_268 = arith.constant 0 : i32
      %dma_wait3A_269 = tpu.memref_slice %arg4[%dma_wait3A_267, %dma_wait3A_268] : memref<64x1000000xf32, #tpu.memory_space<hbm>> -> memref<64x512xf32, #tpu.memory_space<hbm>>
      tpu.wait_dma2 semaphore(%arg16 : memref<!tpu.dma_semaphore, #tpu.memory_space<semaphore_mem>>) src(%dma_wait3A_269 : memref<64x512xf32, #tpu.memory_space<hbm>>) dst(%dma_wait3A_266 : memref<64x512xf32, #tpu.memory_space<vmem>>)
      %add3A_270 = arith.constant 31744 : i32
      %add3A_271 = arith.addi %multiple_of3A, %add3A_270 : i32
      %min3A_272 = arith.constant 999552 : i32
      %min3A_273 = arith.minsi %add3A_271, %min3A_272 : i32
      %multiple_of3A_274 = tpu.assume_multiple %min3A_273, 128 : i32
      %shift_left3A = arith.constant 8 : i32
      %shift_left3A_275 = arith.shli %scan3A_254#1, %shift_left3A : i32
      %add3A_276 = arith.addi %scan3A_254#0, %shift_left3A_275 : i32
      %while3A_277 = scf.while (%while3A_285 = %add3A_276) : (i32) -> i32 {
        %and3A_286 = arith.constant 255 : i32
        %and3A_287 = arith.andi %while3A_285, %and3A_286 : i32
        %min3A_288 = arith.constant 127 : i32
        %min3A_289 = arith.minsi %and3A_287, %min3A_288 : i32
        %mul3A_290 = arith.constant 16 : i32
        %mul3A_291 = arith.muli %min3A_289, %mul3A_290 : i32
        %multiple_of3A_292 = tpu.assume_multiple %mul3A_291, 16 : i32
        %get3A_293 = arith.index_cast %multiple_of3A_292 : i32 to index
        %get3A_294 = tpu.vector_load %arg12[%get3A_293] {strides = array<i32>} : memref<2048xi32, #tpu.memory_space<vmem>>, vector<16xi32>,
        %broadcast_in_dim3A_295 = arith.constant 0 : i32
        %broadcast_in_dim3A_296 = vector.broadcast %broadcast_in_dim3A_295 : i32 to vector<16xi32>
        %lt3A_297 = arith.constant 0 : i32
        %lt3A_298 = vector.broadcast %lt3A_297 : i32 to vector<16xi32>
        %lt3A_299 = arith.cmpi slt, %broadcast_in_dim3A_296, %lt3A_298 : vector<16xi32>
        %add3A_300 = arith.constant 16 : i32
        %add3A_301 = vector.broadcast %add3A_300 : i32 to vector<16xi32>
        %add3A_302 = arith.addi %broadcast_in_dim3A_296, %add3A_301 : vector<16xi32>
        %select_n3A_303 = arith.select %lt3A_299, %add3A_302, %broadcast_in_dim3A_296 : vector<16xi1>, vector<16xi32>
        %broadcast_in_dim3A_304 = vector.shape_cast %select_n3A_303 : vector<16xi32> to vector<16x1xi32>
        %gather3A_305 = vector.shape_cast %broadcast_in_dim3A_304 : vector<16x1xi32> to vector<16xi32>
        %gather3A_306 = tpu.dynamic_gather %get3A_294[%gather3A_305] in [0] : vector<16xi32>, vector<16xi32> -> vector<16xi32>
        %slice3A_307 = vector.extract_strided_slice %gather3A_306 {offsets = [0], sizes = [1], strides = [1]} : vector<16xi32> to vector<1xi32>
        %squeeze3A_308 = vector.extract %slice3A_307[0] : i32 from vector<1xi32>
        %shift_right_arithmetic3A_309 = arith.constant 14 : i32
        %shift_right_arithmetic3A_310 = arith.shrsi %while3A_285, %shift_right_arithmetic3A_309 : i32
        %eq3A = arith.constant 0 : i32
        %eq3A_311 = arith.cmpi eq, %shift_right_arithmetic3A_310, %eq3A : i32
        %lt3A_312 = arith.constant 128 : i32
        %lt3A_313 = arith.cmpi slt, %and3A_287, %lt3A_312 : i32
        %and3A_314 = arith.andi %eq3A_311, %lt3A_313 : i1
        %add3A_315 = arith.constant 512 : i32
        %add3A_316 = arith.addi %multiple_of3A_274, %add3A_315 : i32
        %lt3A_317 = arith.cmpi slt, %squeeze3A_308, %add3A_316 : i32
        %and3A_318 = arith.andi %and3A_314, %lt3A_317 : i1
        scf.condition(%and3A_318) %while3A_285 : i32
      } do {
      ^bb0(%while3A_285: i32):
        %and3A_286 = arith.constant 255 : i32
        %and3A_287 = arith.andi %while3A_285, %and3A_286 : i32
        %shift_right_arithmetic3A_288 = arith.constant 8 : i32
        %shift_right_arithmetic3A_289 = arith.shrsi %while3A_285, %shift_right_arithmetic3A_288 : i32
        %and3A_290 = arith.constant 63 : i32
        %and3A_291 = arith.andi %shift_right_arithmetic3A_289, %and3A_290 : i32
        %min3A_292 = arith.constant 127 : i32
        %min3A_293 = arith.minsi %and3A_287, %min3A_292 : i32
        %mul3A_294 = arith.constant 16 : i32
        %mul3A_295 = arith.muli %min3A_293, %mul3A_294 : i32
        %multiple_of3A_296 = tpu.assume_multiple %mul3A_295, 16 : i32
        %get3A_297 = arith.index_cast %multiple_of3A_296 : i32 to index
        %get3A_298 = tpu.vector_load %arg12[%get3A_297] {strides = array<i32>} : memref<2048xi32, #tpu.memory_space<vmem>>, vector<16xi32>,
        %get3A_299 = arith.index_cast %multiple_of3A_296 : i32 to index
        %get3A_300 = tpu.vector_load %arg11[%get3A_299] {strides = array<i32>} : memref<2048xi32, #tpu.memory_space<vmem>>, vector<16xi32>,
        %ge3A = vector.broadcast %multiple_of3A_274 : i32 to vector<16xi32>
        %ge3A_301 = arith.cmpi sge, %get3A_298, %ge3A : vector<16xi32>
        %add3A_302 = arith.constant 512 : i32
        %add3A_303 = arith.addi %multiple_of3A_274, %add3A_302 : i32
        %lt3A_304 = vector.broadcast %add3A_303 : i32 to vector<16xi32>
        %lt3A_305 = arith.cmpi slt, %get3A_298, %lt3A_304 : vector<16xi32>
        %and3A_306 = arith.andi %ge3A_301, %lt3A_305 : vector<16xi1>
        %lt3A_307 = vector.broadcast %multiple_of3A_274 : i32 to vector<16xi32>
        %lt3A_308 = arith.cmpi slt, %get3A_298, %lt3A_307 : vector<16xi32>
        %all_reduce_population_count3A = tpu.all_reduce %lt3A_308 {dim = 0 : i64, kind = #tpu.reduction_kind<sum>} : vector<16xi1> -> vector<16xi32>
        %slice3A_309 = vector.extract_strided_slice %all_reduce_population_count3A {offsets = [0], sizes = [1], strides = [1]} : vector<16xi32> to vector<1xi32>
        %squeeze3A_310 = vector.extract %slice3A_309[0] : i32 from vector<1xi32>
        %all_reduce_population_count3A_311 = tpu.all_reduce %and3A_306 {dim = 0 : i64, kind = #tpu.reduction_kind<sum>} : vector<16xi1> -> vector<16xi32>
        %slice3A_312 = vector.extract_strided_slice %all_reduce_population_count3A_311 {offsets = [0], sizes = [1], strides = [1]} : vector<16xi32> to vector<1xi32>
        %squeeze3A_313 = vector.extract %slice3A_312[0] : i32 from vector<1xi32>
        %while3A_314 = arith.constant 0 : i32
        %while3A_315 = arith.subi %squeeze3A_313, %while3A_314 : i32
        %while3A_316 = arith.addi %while3A_314, %while3A_315 : i32
        %while3A_317 = arith.constant 1 : i32
        %while3A_318 = arith.divsi %while3A_315, %while3A_317 : i32
        %while3A_319 = arith.muli %while3A_318, %while3A_317 : i32
        %while3A_320 = arith.addi %while3A_314, %while3A_319 : i32
        %while3A_321 = arith.constant 1 : i32
        %while3A_322 = scf.for %while3A_345 = %while3A_314 to %while3A_320 step %while3A_321 iter_args(%while3A_346 = %and3A_291) -> (i32)  : i32 {
          %add3A_347 = arith.addi %squeeze3A_310, %while3A_345 : i32
          %broadcast_in_dim3A_348 = vector.broadcast %add3A_347 : i32 to vector<16xi32>
          %lt3A_349 = arith.constant 0 : i32
          %lt3A_350 = vector.broadcast %lt3A_349 : i32 to vector<16xi32>
          %lt3A_351 = arith.cmpi slt, %broadcast_in_dim3A_348, %lt3A_350 : vector<16xi32>
          %add3A_352 = arith.constant 16 : i32
          %add3A_353 = vector.broadcast %add3A_352 : i32 to vector<16xi32>
          %add3A_354 = arith.addi %broadcast_in_dim3A_348, %add3A_353 : vector<16xi32>
          %select_n3A_355 = arith.select %lt3A_351, %add3A_354, %broadcast_in_dim3A_348 : vector<16xi1>, vector<16xi32>
          %broadcast_in_dim3A_356 = vector.shape_cast %select_n3A_355 : vector<16xi32> to vector<16x1xi32>
          %gather3A_357 = vector.shape_cast %broadcast_in_dim3A_356 : vector<16x1xi32> to vector<16xi32>
          %gather3A_358 = tpu.dynamic_gather %get3A_298[%gather3A_357] in [0] : vector<16xi32>, vector<16xi32> -> vector<16xi32>
          %slice3A_359 = vector.extract_strided_slice %gather3A_358 {offsets = [0], sizes = [1], strides = [1]} : vector<16xi32> to vector<1xi32>
          %squeeze3A_360 = vector.extract %slice3A_359[0] : i32 from vector<1xi32>
          %sub3A_361 = arith.subi %squeeze3A_360, %multiple_of3A_274 : i32
          %broadcast_in_dim3A_362 = vector.broadcast %add3A_347 : i32 to vector<16xi32>
          %lt3A_363 = arith.constant 0 : i32
          %lt3A_364 = vector.broadcast %lt3A_363 : i32 to vector<16xi32>
          %lt3A_365 = arith.cmpi slt, %broadcast_in_dim3A_362, %lt3A_364 : vector<16xi32>
          %add3A_366 = arith.constant 16 : i32
          %add3A_367 = vector.broadcast %add3A_366 : i32 to vector<16xi32>
          %add3A_368 = arith.addi %broadcast_in_dim3A_362, %add3A_367 : vector<16xi32>
          %select_n3A_369 = arith.select %lt3A_365, %add3A_368, %broadcast_in_dim3A_362 : vector<16xi1>, vector<16xi32>
          %broadcast_in_dim3A_370 = vector.shape_cast %select_n3A_369 : vector<16xi32> to vector<16x1xi32>
          %gather3A_371 = vector.shape_cast %broadcast_in_dim3A_370 : vector<16x1xi32> to vector<16xi32>
          %gather3A_372 = tpu.dynamic_gather %get3A_300[%gather3A_371] in [0] : vector<16xi32>, vector<16xi32> -> vector<16xi32>
          %slice3A_373 = vector.extract_strided_slice %gather3A_372 {offsets = [0], sizes = [1], strides = [1]} : vector<16xi32> to vector<1xi32>
          %squeeze3A_374 = vector.extract %slice3A_373[0] : i32 from vector<1xi32>
          %and3A_375 = arith.constant 31 : i32
          %and3A_376 = arith.andi %while3A_346, %and3A_375 : i32
          %dma_wait3A_377 = arith.constant 0 : i32
          %dma_wait3A_378 = tpu.memref_slice %arg14[%dma_wait3A_377] : memref<2048xf32, #tpu.memory_space<vmem>> -> memref<64xf32, #tpu.memory_space<vmem>>
          %dma_wait3A_379 = arith.constant 0 : i32
          %dma_wait3A_380 = tpu.memref_slice %arg14[%dma_wait3A_379] : memref<2048xf32, #tpu.memory_space<vmem>> -> memref<64xf32, #tpu.memory_space<vmem>>
          tpu.wait_dma2 semaphore(%arg17 : memref<!tpu.dma_semaphore, #tpu.memory_space<semaphore_mem>>) src(%dma_wait3A_380 : memref<64xf32, #tpu.memory_space<vmem>>) dst(%arg8 : memref<64xf32, #tpu.memory_space<hbm>>)
          %broadcast_in_dim3A_381 = arith.constant 0 : i32
          %broadcast_in_dim3A_382 = vector.broadcast %broadcast_in_dim3A_381 : i32 to vector<16xi32>
          %add3A_383 = arith.constant 0 : i32
          %add3A_384 = vector.broadcast %add3A_383 : i32 to vector<16xi32>
          %add3A_385 = arith.addi %iota3A, %add3A_384 : vector<16xi32>
          %broadcast_in_dim3A_386 = vector.broadcast %sub3A_361 : i32 to vector<16xi32>
          %gather3A_387 = tpu.vector_load_idx %arg13[%broadcast_in_dim3A_382, %add3A_385, %broadcast_in_dim3A_386] : memref<2x64x512xf32, #tpu.memory_space<vmem>>[vector<16xi32>, vector<16xi32>, vector<16xi32>], vector<16xf32>,
          %mul3A_388 = arith.constant 64 : i32
          %mul3A_389 = arith.muli %and3A_376, %mul3A_388 : i32
          %add3A_390 = arith.constant 0 : i32
          %add3A_391 = arith.addi %mul3A_389, %add3A_390 : i32
          %multiple_of3A_392 = tpu.assume_multiple %add3A_391, 16 : i32
          %swap3A = arith.index_cast %multiple_of3A_392 : i32 to index
          %swap3A_393 = tpu.vector_load %arg14[%swap3A] {strides = array<i32>} : memref<2048xf32, #tpu.memory_space<vmem>>, vector<16xf32>,
          tpu.vector_store %arg14[%swap3A], %gather3A_387 {strides = array<i32>} : memref<2048xf32, #tpu.memory_space<vmem>>, vector<16xf32>,
          %broadcast_in_dim3A_394 = arith.constant 0 : i32
          %broadcast_in_dim3A_395 = vector.broadcast %broadcast_in_dim3A_394 : i32 to vector<16xi32>
          %add3A_396 = arith.constant 16 : i32
          %add3A_397 = vector.broadcast %add3A_396 : i32 to vector<16xi32>
          %add3A_398 = arith.addi %iota3A, %add3A_397 : vector<16xi32>
          %broadcast_in_dim3A_399 = vector.broadcast %sub3A_361 : i32 to vector<16xi32>
          %gather3A_400 = tpu.vector_load_idx %arg13[%broadcast_in_dim3A_395, %add3A_398, %broadcast_in_dim3A_399] : memref<2x64x512xf32, #tpu.memory_space<vmem>>[vector<16xi32>, vector<16xi32>, vector<16xi32>], vector<16xf32>,
          %mul3A_401 = arith.constant 64 : i32
          %mul3A_402 = arith.muli %and3A_376, %mul3A_401 : i32
          %add3A_403 = arith.constant 16 : i32
          %add3A_404 = arith.addi %mul3A_402, %add3A_403 : i32
          %multiple_of3A_405 = tpu.assume_multiple %add3A_404, 16 : i32
          %swap3A_406 = arith.index_cast %multiple_of3A_405 : i32 to index
          %swap3A_407 = tpu.vector_load %arg14[%swap3A_406] {strides = array<i32>} : memref<2048xf32, #tpu.memory_space<vmem>>, vector<16xf32>,
          tpu.vector_store %arg14[%swap3A_406], %gather3A_400 {strides = array<i32>} : memref<2048xf32, #tpu.memory_space<vmem>>, vector<16xf32>,
          %broadcast_in_dim3A_408 = arith.constant 0 : i32
          %broadcast_in_dim3A_409 = vector.broadcast %broadcast_in_dim3A_408 : i32 to vector<16xi32>
          %add3A_410 = arith.constant 32 : i32
          %add3A_411 = vector.broadcast %add3A_410 : i32 to vector<16xi32>
          %add3A_412 = arith.addi %iota3A, %add3A_411 : vector<16xi32>
          %broadcast_in_dim3A_413 = vector.broadcast %sub3A_361 : i32 to vector<16xi32>
          %gather3A_414 = tpu.vector_load_idx %arg13[%broadcast_in_dim3A_409, %add3A_412, %broadcast_in_dim3A_413] : memref<2x64x512xf32, #tpu.memory_space<vmem>>[vector<16xi32>, vector<16xi32>, vector<16xi32>], vector<16xf32>,
          %mul3A_415 = arith.constant 64 : i32
          %mul3A_416 = arith.muli %and3A_376, %mul3A_415 : i32
          %add3A_417 = arith.constant 32 : i32
          %add3A_418 = arith.addi %mul3A_416, %add3A_417 : i32
          %multiple_of3A_419 = tpu.assume_multiple %add3A_418, 16 : i32
          %swap3A_420 = arith.index_cast %multiple_of3A_419 : i32 to index
          %swap3A_421 = tpu.vector_load %arg14[%swap3A_420] {strides = array<i32>} : memref<2048xf32, #tpu.memory_space<vmem>>, vector<16xf32>,
          tpu.vector_store %arg14[%swap3A_420], %gather3A_414 {strides = array<i32>} : memref<2048xf32, #tpu.memory_space<vmem>>, vector<16xf32>,
          %broadcast_in_dim3A_422 = arith.constant 0 : i32
          %broadcast_in_dim3A_423 = vector.broadcast %broadcast_in_dim3A_422 : i32 to vector<16xi32>
          %add3A_424 = arith.constant 48 : i32
          %add3A_425 = vector.broadcast %add3A_424 : i32 to vector<16xi32>
          %add3A_426 = arith.addi %iota3A, %add3A_425 : vector<16xi32>
          %broadcast_in_dim3A_427 = vector.broadcast %sub3A_361 : i32 to vector<16xi32>
          %gather3A_428 = tpu.vector_load_idx %arg13[%broadcast_in_dim3A_423, %add3A_426, %broadcast_in_dim3A_427] : memref<2x64x512xf32, #tpu.memory_space<vmem>>[vector<16xi32>, vector<16xi32>, vector<16xi32>], vector<16xf32>,
          %mul3A_429 = arith.constant 64 : i32
          %mul3A_430 = arith.muli %and3A_376, %mul3A_429 : i32
          %add3A_431 = arith.constant 48 : i32
          %add3A_432 = arith.addi %mul3A_430, %add3A_431 : i32
          %multiple_of3A_433 = tpu.assume_multiple %add3A_432, 16 : i32
          %swap3A_434 = arith.index_cast %multiple_of3A_433 : i32 to index
          %swap3A_435 = tpu.vector_load %arg14[%swap3A_434] {strides = array<i32>} : memref<2048xf32, #tpu.memory_space<vmem>>, vector<16xf32>,
          tpu.vector_store %arg14[%swap3A_434], %gather3A_428 {strides = array<i32>} : memref<2048xf32, #tpu.memory_space<vmem>>, vector<16xf32>,
          %mul3A_436 = arith.constant 64 : i32
          %mul3A_437 = arith.muli %and3A_376, %mul3A_436 : i32
          %multiple_of3A_438 = tpu.assume_multiple %mul3A_437, 64 : i32
          %mul3A_439 = arith.constant 64 : i32
          %mul3A_440 = arith.muli %squeeze3A_374, %mul3A_439 : i32
          %multiple_of3A_441 = tpu.assume_multiple %mul3A_440, 64 : i32
          %dma_start3A_442 = tpu.memref_slice %arg14[%multiple_of3A_438] : memref<2048xf32, #tpu.memory_space<vmem>> -> memref<64xf32, #tpu.memory_space<vmem>>
          %dma_start3A_443 = tpu.memref_slice %arg7[%multiple_of3A_441] : memref<1048576xf32, #tpu.memory_space<hbm>> -> memref<64xf32, #tpu.memory_space<hbm>>
          %dma_start3A_444 = tpu.memref_slice %arg7[%multiple_of3A_441] : memref<1048576xf32, #tpu.memory_space<hbm>> -> memref<64xf32, #tpu.memory_space<hbm>>
          %dma_start3A_445 = tpu.memref_slice %arg14[%multiple_of3A_438] : memref<2048xf32, #tpu.memory_space<vmem>> -> memref<64xf32, #tpu.memory_space<vmem>>
          tpu.enqueue_dma source(%dma_start3A_445 : memref<64xf32, #tpu.memory_space<vmem>>) target(%dma_start3A_444 : memref<64xf32, #tpu.memory_space<hbm>>) target_semaphore(%arg17 : memref<!tpu.dma_semaphore, #tpu.memory_space<semaphore_mem>>)
          %add3A_446 = arith.constant 1 : i32
          %add3A_447 = arith.addi %while3A_346, %add3A_446 : i32
          %and3A_448 = arith.constant 63 : i32
          %and3A_449 = arith.andi %add3A_447, %and3A_448 : i32
          scf.yield %and3A_449 : i32
        }
        %while3A_323 = arith.constant 1 : i32
        %while3A_324 = scf.for %while3A_345 = %while3A_320 to %while3A_316 step %while3A_323 iter_args(%while3A_346 = %while3A_322) -> (i32)  : i32 {
          %add3A_347 = arith.addi %squeeze3A_310, %while3A_345 : i32
          %broadcast_in_dim3A_348 = vector.broadcast %add3A_347 : i32 to vector<16xi32>
          %lt3A_349 = arith.constant 0 : i32
          %lt3A_350 = vector.broadcast %lt3A_349 : i32 to vector<16xi32>
          %lt3A_351 = arith.cmpi slt, %broadcast_in_dim3A_348, %lt3A_350 : vector<16xi32>
          %add3A_352 = arith.constant 16 : i32
          %add3A_353 = vector.broadcast %add3A_352 : i32 to vector<16xi32>
          %add3A_354 = arith.addi %broadcast_in_dim3A_348, %add3A_353 : vector<16xi32>
          %select_n3A_355 = arith.select %lt3A_351, %add3A_354, %broadcast_in_dim3A_348 : vector<16xi1>, vector<16xi32>
          %broadcast_in_dim3A_356 = vector.shape_cast %select_n3A_355 : vector<16xi32> to vector<16x1xi32>
          %gather3A_357 = vector.shape_cast %broadcast_in_dim3A_356 : vector<16x1xi32> to vector<16xi32>
          %gather3A_358 = tpu.dynamic_gather %get3A_298[%gather3A_357] in [0] : vector<16xi32>, vector<16xi32> -> vector<16xi32>
          %slice3A_359 = vector.extract_strided_slice %gather3A_358 {offsets = [0], sizes = [1], strides = [1]} : vector<16xi32> to vector<1xi32>
          %squeeze3A_360 = vector.extract %slice3A_359[0] : i32 from vector<1xi32>
          %sub3A_361 = arith.subi %squeeze3A_360, %multiple_of3A_274 : i32
          %broadcast_in_dim3A_362 = vector.broadcast %add3A_347 : i32 to vector<16xi32>
          %lt3A_363 = arith.constant 0 : i32
          %lt3A_364 = vector.broadcast %lt3A_363 : i32 to vector<16xi32>
          %lt3A_365 = arith.cmpi slt, %broadcast_in_dim3A_362, %lt3A_364 : vector<16xi32>
          %add3A_366 = arith.constant 16 : i32
          %add3A_367 = vector.broadcast %add3A_366 : i32 to vector<16xi32>
          %add3A_368 = arith.addi %broadcast_in_dim3A_362, %add3A_367 : vector<16xi32>
          %select_n3A_369 = arith.select %lt3A_365, %add3A_368, %broadcast_in_dim3A_362 : vector<16xi1>, vector<16xi32>
          %broadcast_in_dim3A_370 = vector.shape_cast %select_n3A_369 : vector<16xi32> to vector<16x1xi32>
          %gather3A_371 = vector.shape_cast %broadcast_in_dim3A_370 : vector<16x1xi32> to vector<16xi32>
          %gather3A_372 = tpu.dynamic_gather %get3A_300[%gather3A_371] in [0] : vector<16xi32>, vector<16xi32> -> vector<16xi32>
          %slice3A_373 = vector.extract_strided_slice %gather3A_372 {offsets = [0], sizes = [1], strides = [1]} : vector<16xi32> to vector<1xi32>
          %squeeze3A_374 = vector.extract %slice3A_373[0] : i32 from vector<1xi32>
          %and3A_375 = arith.constant 31 : i32
          %and3A_376 = arith.andi %while3A_346, %and3A_375 : i32
          %dma_wait3A_377 = arith.constant 0 : i32
          %dma_wait3A_378 = tpu.memref_slice %arg14[%dma_wait3A_377] : memref<2048xf32, #tpu.memory_space<vmem>> -> memref<64xf32, #tpu.memory_space<vmem>>
          %dma_wait3A_379 = arith.constant 0 : i32
          %dma_wait3A_380 = tpu.memref_slice %arg14[%dma_wait3A_379] : memref<2048xf32, #tpu.memory_space<vmem>> -> memref<64xf32, #tpu.memory_space<vmem>>
          tpu.wait_dma2 semaphore(%arg17 : memref<!tpu.dma_semaphore, #tpu.memory_space<semaphore_mem>>) src(%dma_wait3A_380 : memref<64xf32, #tpu.memory_space<vmem>>) dst(%arg8 : memref<64xf32, #tpu.memory_space<hbm>>)
          %broadcast_in_dim3A_381 = arith.constant 0 : i32
          %broadcast_in_dim3A_382 = vector.broadcast %broadcast_in_dim3A_381 : i32 to vector<16xi32>
          %add3A_383 = arith.constant 0 : i32
          %add3A_384 = vector.broadcast %add3A_383 : i32 to vector<16xi32>
          %add3A_385 = arith.addi %iota3A, %add3A_384 : vector<16xi32>
          %broadcast_in_dim3A_386 = vector.broadcast %sub3A_361 : i32 to vector<16xi32>
          %gather3A_387 = tpu.vector_load_idx %arg13[%broadcast_in_dim3A_382, %add3A_385, %broadcast_in_dim3A_386] : memref<2x64x512xf32, #tpu.memory_space<vmem>>[vector<16xi32>, vector<16xi32>, vector<16xi32>], vector<16xf32>,
          %mul3A_388 = arith.constant 64 : i32
          %mul3A_389 = arith.muli %and3A_376, %mul3A_388 : i32
          %add3A_390 = arith.constant 0 : i32
          %add3A_391 = arith.addi %mul3A_389, %add3A_390 : i32
          %multiple_of3A_392 = tpu.assume_multiple %add3A_391, 16 : i32
          %swap3A = arith.index_cast %multiple_of3A_392 : i32 to index
          %swap3A_393 = tpu.vector_load %arg14[%swap3A] {strides = array<i32>} : memref<2048xf32, #tpu.memory_space<vmem>>, vector<16xf32>,
          tpu.vector_store %arg14[%swap3A], %gather3A_387 {strides = array<i32>} : memref<2048xf32, #tpu.memory_space<vmem>>, vector<16xf32>,
          %broadcast_in_dim3A_394 = arith.constant 0 : i32
          %broadcast_in_dim3A_395 = vector.broadcast %broadcast_in_dim3A_394 : i32 to vector<16xi32>
          %add3A_396 = arith.constant 16 : i32
          %add3A_397 = vector.broadcast %add3A_396 : i32 to vector<16xi32>
          %add3A_398 = arith.addi %iota3A, %add3A_397 : vector<16xi32>
          %broadcast_in_dim3A_399 = vector.broadcast %sub3A_361 : i32 to vector<16xi32>
          %gather3A_400 = tpu.vector_load_idx %arg13[%broadcast_in_dim3A_395, %add3A_398, %broadcast_in_dim3A_399] : memref<2x64x512xf32, #tpu.memory_space<vmem>>[vector<16xi32>, vector<16xi32>, vector<16xi32>], vector<16xf32>,
          %mul3A_401 = arith.constant 64 : i32
          %mul3A_402 = arith.muli %and3A_376, %mul3A_401 : i32
          %add3A_403 = arith.constant 16 : i32
          %add3A_404 = arith.addi %mul3A_402, %add3A_403 : i32
          %multiple_of3A_405 = tpu.assume_multiple %add3A_404, 16 : i32
          %swap3A_406 = arith.index_cast %multiple_of3A_405 : i32 to index
          %swap3A_407 = tpu.vector_load %arg14[%swap3A_406] {strides = array<i32>} : memref<2048xf32, #tpu.memory_space<vmem>>, vector<16xf32>,
          tpu.vector_store %arg14[%swap3A_406], %gather3A_400 {strides = array<i32>} : memref<2048xf32, #tpu.memory_space<vmem>>, vector<16xf32>,
          %broadcast_in_dim3A_408 = arith.constant 0 : i32
          %broadcast_in_dim3A_409 = vector.broadcast %broadcast_in_dim3A_408 : i32 to vector<16xi32>
          %add3A_410 = arith.constant 32 : i32
          %add3A_411 = vector.broadcast %add3A_410 : i32 to vector<16xi32>
          %add3A_412 = arith.addi %iota3A, %add3A_411 : vector<16xi32>
          %broadcast_in_dim3A_413 = vector.broadcast %sub3A_361 : i32 to vector<16xi32>
          %gather3A_414 = tpu.vector_load_idx %arg13[%broadcast_in_dim3A_409, %add3A_412, %broadcast_in_dim3A_413] : memref<2x64x512xf32, #tpu.memory_space<vmem>>[vector<16xi32>, vector<16xi32>, vector<16xi32>], vector<16xf32>,
          %mul3A_415 = arith.constant 64 : i32
          %mul3A_416 = arith.muli %and3A_376, %mul3A_415 : i32
          %add3A_417 = arith.constant 32 : i32
          %add3A_418 = arith.addi %mul3A_416, %add3A_417 : i32
          %multiple_of3A_419 = tpu.assume_multiple %add3A_418, 16 : i32
          %swap3A_420 = arith.index_cast %multiple_of3A_419 : i32 to index
          %swap3A_421 = tpu.vector_load %arg14[%swap3A_420] {strides = array<i32>} : memref<2048xf32, #tpu.memory_space<vmem>>, vector<16xf32>,
          tpu.vector_store %arg14[%swap3A_420], %gather3A_414 {strides = array<i32>} : memref<2048xf32, #tpu.memory_space<vmem>>, vector<16xf32>,
          %broadcast_in_dim3A_422 = arith.constant 0 : i32
          %broadcast_in_dim3A_423 = vector.broadcast %broadcast_in_dim3A_422 : i32 to vector<16xi32>
          %add3A_424 = arith.constant 48 : i32
          %add3A_425 = vector.broadcast %add3A_424 : i32 to vector<16xi32>
          %add3A_426 = arith.addi %iota3A, %add3A_425 : vector<16xi32>
          %broadcast_in_dim3A_427 = vector.broadcast %sub3A_361 : i32 to vector<16xi32>
          %gather3A_428 = tpu.vector_load_idx %arg13[%broadcast_in_dim3A_423, %add3A_426, %broadcast_in_dim3A_427] : memref<2x64x512xf32, #tpu.memory_space<vmem>>[vector<16xi32>, vector<16xi32>, vector<16xi32>], vector<16xf32>,
          %mul3A_429 = arith.constant 64 : i32
          %mul3A_430 = arith.muli %and3A_376, %mul3A_429 : i32
          %add3A_431 = arith.constant 48 : i32
          %add3A_432 = arith.addi %mul3A_430, %add3A_431 : i32
          %multiple_of3A_433 = tpu.assume_multiple %add3A_432, 16 : i32
          %swap3A_434 = arith.index_cast %multiple_of3A_433 : i32 to index
          %swap3A_435 = tpu.vector_load %arg14[%swap3A_434] {strides = array<i32>} : memref<2048xf32, #tpu.memory_space<vmem>>, vector<16xf32>,
          tpu.vector_store %arg14[%swap3A_434], %gather3A_428 {strides = array<i32>} : memref<2048xf32, #tpu.memory_space<vmem>>, vector<16xf32>,
          %mul3A_436 = arith.constant 64 : i32
          %mul3A_437 = arith.muli %and3A_376, %mul3A_436 : i32
          %multiple_of3A_438 = tpu.assume_multiple %mul3A_437, 64 : i32
          %mul3A_439 = arith.constant 64 : i32
          %mul3A_440 = arith.muli %squeeze3A_374, %mul3A_439 : i32
          %multiple_of3A_441 = tpu.assume_multiple %mul3A_440, 64 : i32
          %dma_start3A_442 = tpu.memref_slice %arg14[%multiple_of3A_438] : memref<2048xf32, #tpu.memory_space<vmem>> -> memref<64xf32, #tpu.memory_space<vmem>>
          %dma_start3A_443 = tpu.memref_slice %arg7[%multiple_of3A_441] : memref<1048576xf32, #tpu.memory_space<hbm>> -> memref<64xf32, #tpu.memory_space<hbm>>
          %dma_start3A_444 = tpu.memref_slice %arg7[%multiple_of3A_441] : memref<1048576xf32, #tpu.memory_space<hbm>> -> memref<64xf32, #tpu.memory_space<hbm>>
          %dma_start3A_445 = tpu.memref_slice %arg14[%multiple_of3A_438] : memref<2048xf32, #tpu.memory_space<vmem>> -> memref<64xf32, #tpu.memory_space<vmem>>
          tpu.enqueue_dma source(%dma_start3A_445 : memref<64xf32, #tpu.memory_space<vmem>>) target(%dma_start3A_444 : memref<64xf32, #tpu.memory_space<hbm>>) target_semaphore(%arg17 : memref<!tpu.dma_semaphore, #tpu.memory_space<semaphore_mem>>)
          %add3A_446 = arith.constant 1 : i32
          %add3A_447 = arith.addi %while3A_346, %add3A_446 : i32
          %and3A_448 = arith.constant 63 : i32
          %and3A_449 = arith.andi %add3A_447, %and3A_448 : i32
          scf.yield %and3A_449 : i32
        }
        %add3A_325 = arith.constant 512 : i32
        %add3A_326 = arith.addi %multiple_of3A_274, %add3A_325 : i32
        %lt3A_327 = vector.broadcast %add3A_326 : i32 to vector<16xi32>
        %lt3A_328 = arith.cmpi slt, %get3A_298, %lt3A_327 : vector<16xi32>
        %all_reduce_population_count3A_329 = tpu.all_reduce %lt3A_328 {dim = 0 : i64, kind = #tpu.reduction_kind<sum>} : vector<16xi1> -> vector<16xi32>
        %slice3A_330 = vector.extract_strided_slice %all_reduce_population_count3A_329 {offsets = [0], sizes = [1], strides = [1]} : vector<16xi32> to vector<1xi32>
        %squeeze3A_331 = vector.extract %slice3A_330[0] : i32 from vector<1xi32>
        %eq3A = arith.constant 16 : i32
        %eq3A_332 = arith.cmpi eq, %squeeze3A_331, %eq3A : i32
        %add3A_333 = arith.constant 1 : i32
        %add3A_334 = arith.addi %and3A_287, %add3A_333 : i32
        %select_n3A_335 = arith.select %eq3A_332, %add3A_334, %and3A_287 : i32
        %jit3A_336 = arith.constant 0 : i32
        %jit3A_337 = arith.constant 1 : i32
        %select_n3A_338 = arith.select %eq3A_332, %jit3A_336, %jit3A_337 : i32
        %shift_left3A_339 = arith.constant 8 : i32
        %shift_left3A_340 = arith.shli %while3A_324, %shift_left3A_339 : i32
        %add3A_341 = arith.addi %select_n3A_335, %shift_left3A_340 : i32
        %shift_left3A_342 = arith.constant 14 : i32
        %shift_left3A_343 = arith.shli %select_n3A_338, %shift_left3A_342 : i32
        %add3A_344 = arith.addi %add3A_341, %shift_left3A_343 : i32
        scf.yield %add3A_344 : i32
      }
      %and3A_278 = arith.constant 255 : i32
      %and3A_279 = arith.andi %while3A_277, %and3A_278 : i32
      %shift_right_arithmetic3A = arith.constant 8 : i32
      %shift_right_arithmetic3A_280 = arith.shrsi %while3A_277, %shift_right_arithmetic3A : i32
      %and3A_281 = arith.constant 63 : i32
      %and3A_282 = arith.andi %shift_right_arithmetic3A_280, %and3A_281 : i32
      %add3A_283 = arith.constant 2048 : i32
      %add3A_284 = arith.addi %multiple_of3A_215, %add3A_283 : i32
      scf.yield %add3A_284 : i32
    }
    %scan3A = arith.constant 0 : i32
    %scan3A_205 = arith.constant 0 : i32
    %scan3A_206 = arith.constant 32 : i32
    %scan3A_207 = arith.addi %scan3A_205, %scan3A_206 : i32
    %scan3A_208 = arith.constant 1 : i32
    %scan3A_209 = scf.for %scan3A_211 = %scan3A_205 to %scan3A_207 step %scan3A_208 iter_args(%scan3A_212 = %scan3A) -> (i32)  : i32 {
      %dma_wait3A = arith.constant 0 : i32
      %dma_wait3A_213 = tpu.memref_slice %arg14[%dma_wait3A] : memref<2048xf32, #tpu.memory_space<vmem>> -> memref<64xf32, #tpu.memory_space<vmem>>
      %dma_wait3A_214 = arith.constant 0 : i32
      %dma_wait3A_215 = tpu.memref_slice %arg14[%dma_wait3A_214] : memref<2048xf32, #tpu.memory_space<vmem>> -> memref<64xf32, #tpu.memory_space<vmem>>
      tpu.wait_dma2 semaphore(%arg17 : memref<!tpu.dma_semaphore, #tpu.memory_space<semaphore_mem>>) src(%dma_wait3A_215 : memref<64xf32, #tpu.memory_space<vmem>>) dst(%arg8 : memref<64xf32, #tpu.memory_space<hbm>>)
      %scan3A_216 = arith.constant 0 : i32
      scf.yield %scan3A_216 : i32
    }
    %scan3A_210 = arith.constant 32 : i32
    return
  }
}

module attributes {stable_mosaic.version = 14 : i64} {
  func.func @_tc_add(%arg0: i32, %arg1: memref<64x1024xf32, #tpu.memory_space<vmem>>, %arg2: memref<1024x64xf32, #tpu.memory_space<vmem>>, %arg3: memref<64x1024xf32, #tpu.memory_space<vmem>>) attributes {dimension_semantics = [#tpu.dimension_semantics<arbitrary>], iteration_bounds = array<i64: 16>, scalar_prefetch = 0 : i64, scratch_operands = 0 : i64, tpu.core_type = #tpu.core_type<tc>, window_params = [{transform_indices = @transform_0, window_bounds = array<i64: 64, 1024>}, {transform_indices = @transform_1, window_bounds = array<i64: 1024, 64>}, {transform_indices = @transform_2, window_bounds = array<i64: 64, 1024>}]} {
    %get3A = arith.constant 0 : index
    %get3A_0 = arith.constant 0 : index
    %get3A_1 = vector.load %arg1[%get3A, %get3A_0] : memref<64x1024xf32, #tpu.memory_space<vmem>>, vector<64x1024xf32>
    %get3A_2 = arith.constant 0 : index
    %get3A_3 = arith.constant 0 : index
    %get3A_4 = vector.load %arg2[%get3A_2, %get3A_3] : memref<1024x64xf32, #tpu.memory_space<vmem>>, vector<1024x64xf32>
    %transpose3A = tpu.transpose %get3A_4, [1, 0] : vector<1024x64xf32> -> vector<64x1024xf32>
    %add3A = arith.addf %get3A_1, %transpose3A : vector<64x1024xf32>
    %swap3A = arith.constant 0 : index
    %swap3A_5 = arith.constant 0 : index
    %swap3A_6 = vector.load %arg3[%swap3A, %swap3A_5] : memref<64x1024xf32, #tpu.memory_space<vmem>>, vector<64x1024xf32>
    tpu.vector_store %arg3[%swap3A, %swap3A_5], %add3A {strides = array<i32>} : memref<64x1024xf32, #tpu.memory_space<vmem>>, vector<64x1024xf32>,
    return
  }
  func.func @transform_0(%arg0: i32) -> (i32, i32) {
    %c0_i32 = arith.constant 0 : i32
    %c0_i32_0 = arith.constant 0 : i32
    return %c0_i32, %arg0 : i32, i32
  }
  func.func @transform_1(%arg0: i32) -> (i32, i32) {
    %c0_i32 = arith.constant 0 : i32
    %c0_i32_0 = arith.constant 0 : i32
    return %arg0, %c0_i32 : i32, i32
  }
  func.func @transform_2(%arg0: i32) -> (i32, i32) {
    %c0_i32 = arith.constant 0 : i32
    %c0_i32_0 = arith.constant 0 : i32
    return %c0_i32, %arg0 : i32, i32
  }
}

</mosaic_0001>

<sc_bundles>
// kernel: kernel.4.cloned.1.call-start
scs
__scs_entry_jumppad:
0x0: {  	(pc) =	sbr.rel $0x88, $3  }
0x1: {  	(tag) =	ssettag $0x0;
	lr =	simm.s32 $0x1  }
0x2: {  	[smem:$0x3F9D] =	sst lr;
	_ =	strace $0xD0000000  }
0x3: {  	_ = 	snop  }
0x4: {  	_ = 	snop  }
0x5: {  	_ = 	snop  }
0x6: {  	_ = 	snop  }
0x7: {  	_ = 	snop  }
__scs_overlays_trampoline_lowered:
0x8: {  	[smem:$0x3FAC] =	sst s0  }
0x9: {  	[smem:$0x3FAD] =	sst s1  }
0xa: {  	[smem:$0x3FAE] =	sst s2  }
0xb: {  	[smem:$0x3FAF] =	sst s3  }
0xc: {  	[smem:$0x3FB0] =	sst s4  }
0xd: {  	[smem:$0x3FB1] =	sst s5  }
0xe: {  	[smem:$0x3FB2] =	sst s6  }
0xf: {  	[smem:$0x3FB3] =	sst s7  }
0x10: {  	[smem:$0x3FB4] =	sst s8  }
0x11: {  	[smem:$0x3FB5] =	sst s9;
	s0 =	simm.s32 @!p0 $0x0  }
0x12: {  	s1 =	sld [smem:$0x3F9B];
	s0 =	simm.s32 @p0 $0x1  }
0x13: {  	[smem:$0x3FB6] =	sst s0;
	s0 =	simm.s32 @!p1 $0x0  }
0x14: {  	s2 =	sld [smem:$0x3F9A];
	s0 =	simm.s32 @p1 $0x1  }
0x15: {  	[smem:$0x3FB7] =	sst s0;
	s0 =	simm.s32 @!p2 $0x0  }
0x16: {  	s3 =	sld [smem:$0x3FDB];
	s0 =	simm.s32 @p2 $0x1  }
0x17: {  	s4 =	simm.s32 $0x1BF5;
	[smem:$0x3FB9] =	sst s0  }
0x18: {  	s0 =	sld [smem:$0x3F9C];
	_ =	swait.ge [sflag:s4], $0x0  }
0x19: {  	s7 =	sld [smem:$0x3F9D]  }
0x1a: {  	s8 =	sadd.s32 $0xFFFFE003, lr  }
0x1b: {  	s9 =	sadd.s32 $0xFFFFFEF7, lr;
	s5 =	simm.s32 $0xFFFFFFFF;
	p2 =	slt.u32 s8, $0xFFFFF086  }
0x1c: {  	p1 =	slt.u32 s9, $0xF7A;
	s5 =	simm.s32 @!p2 $0x0  }
0x1d: {  	s5 =	simm.s32 @p1 $0x1;
	p0 =	seq.s32 s7, s2  }
0x1e: {  	s7 =	smul.u32 @!p0 $0xF7A, s2;
	p2 =	seq.s32 @!p0 s5, $0x0  }
0x1f: {  	s9 =	smul.u32 $0xF7A, s1;
	s8 =	simm.s32 @!p0 $0x1BF5;
	p2 =	por !p2, p0  }
0x20: {  	[sflag:s8] =	ssyncset.s32 @!p0 $0xFFFFF086;
	s6 =	sadd.s32 @!p0 s3, s7;
	s7 =	simm.s32 @!p0 $0x108  }
0x21: {  	s3 =	sadd.s32 s3, s9;
	s6 =	sadd.s32 @!p0 $0x88, s6;
	s7 =	simm.s32 @p2 $0x1082  }
0x22: {  	[simem:s7], [sflag:s8] =	dma.local @!p0 [hbm:s6], $0xF7A  }
0x23: {  	s9 =	sor.u32 $0xD0000000, s2;
	s6 =	simm.s32 $0x108;
	_ =	swait.ge @!p0 [sflag:s8], $0x0  }
0x24: {  	s3 =	sadd.s32 $0x88, s3;
	s6 =	simm.s32 @!p1 $0x1082;
	[sflag:s4] =	ssyncset.s32 $0xFFFFF086  }
0x25: {  	[simem:s6], [sflag:s4] =	dma.local [hbm:s3], $0xF7A  }
0x26: {  	[smem:$0x3F9D] =	sst s1;
	(tag) =	ssettag s2;
	_ =	strace s9  }
0x27: {  	s1 =	sld [smem:$0x3FAD]  }
0x28: {  	s2 =	sld [smem:$0x3FAE]  }
0x29: {  	s4 =	sld [smem:$0x3FB0]  }
0x2a: {  	p0 =	seq.s32 s5, $0x0;
	s5 =	sld [smem:$0x3FB1]  }
0x2b: {  	s6 =	sld [smem:$0x3FB2]  }
0x2c: {  	s7 =	sld [smem:$0x3FB3]  }
0x2d: {  	s3 =	simm.s32 $0x108;
	s8 =	sld [smem:$0x3FB4]  }
0x2e: {  	s3 =	simm.s32 @!p0 $0x1082;
	s9 =	sld [smem:$0x3FB5]  }
0x2f: {  	lr =	sadd.s32 s0, s3;
	s0 =	sld [smem:$0x3FAC]  }
0x30: {  	s3 =	sld [smem:$0x3FAF]  }
0x31: {  	[smem:$0x3FB8] =	sst s10  }
0x32: {  	s10 =	sld [smem:$0x3FB6];
	_ =	sdelay $0x3  }
0x33: {  	p0 =	seq.s32 s10, $0x1;
	s10 =	sld [smem:$0x3FB8];
	_ =	sdelay $0x3  }
0x34: {  	[smem:$0x3FB8] =	sst s10  }
0x35: {  	s10 =	sld [smem:$0x3FB7];
	_ =	sdelay $0x3  }
0x36: {  	p1 =	seq.s32 s10, $0x1;
	s10 =	sld [smem:$0x3FB8];
	_ =	sdelay $0x3  }
0x37: {  	[smem:$0x3FB8] =	sst s10  }
0x38: {  	s10 =	sld [smem:$0x3FB9]  }
0x39: {  	_ = 	snop;
	(pc) =	sbr.ind lr, $3  }
0x3a: {  	_ = 	snop  }
0x3b: {  	_ = 	snop  }
0x3c: {  	p2 =	seq.s32 s10, $0x1;
	s10 =	sld [smem:$0x3FB8]  }
0x3d: {  	_ =	shalt  }
0x3e: {  	_ =	shalt  }
0x3f: {  	_ =	shalt  }
0x40: {  	_ =	shalt  }
0x41: {  	_ =	shalt  }
0x42: {  	_ =	shalt  }
0x43: {  	_ =	shalt  }
0x44: {  	_ =	shalt  }
0x45: {  	_ =	shalt  }
0x46: {  	_ =	shalt  }
0x47: {  	_ =	shalt  }
0x48: {  	_ =	shalt  }
0x49: {  	_ =	shalt  }
0x4a: {  	_ =	shalt  }
0x4b: {  	_ =	shalt  }
0x4c: {  	_ =	shalt  }
0x4d: {  	_ =	shalt  }
0x4e: {  	_ =	shalt  }
0x4f: {  	_ =	shalt  }
0x50: {  	_ =	shalt  }
0x51: {  	_ =	shalt  }
0x52: {  	_ =	shalt  }
0x53: {  	_ =	shalt  }
0x54: {  	_ =	shalt  }
0x55: {  	_ =	shalt  }
0x56: {  	_ =	shalt  }
0x57: {  	_ =	shalt  }
0x58: {  	_ =	shalt  }
0x59: {  	_ =	shalt  }
0x5a: {  	_ =	shalt  }
0x5b: {  	_ =	shalt  }
0x5c: {  	_ =	shalt  }
0x5d: {  	_ =	shalt  }
0x5e: {  	_ =	shalt  }
0x5f: {  	_ =	shalt  }
0x60: {  	_ =	shalt  }
0x61: {  	_ =	shalt  }
0x62: {  	_ =	shalt  }
0x63: {  	_ =	shalt  }
0x64: {  	_ =	shalt  }
0x65: {  	_ =	shalt  }
0x66: {  	_ =	shalt  }
0x67: {  	_ =	shalt  }
0x68: {  	_ =	shalt  }
0x69: {  	_ =	shalt  }
0x6a: {  	_ =	shalt  }
0x6b: {  	_ =	shalt  }
0x6c: {  	_ =	shalt  }
0x6d: {  	_ =	shalt  }
0x6e: {  	_ =	shalt  }
0x6f: {  	_ =	shalt  }
0x70: {  	_ =	shalt  }
0x71: {  	_ =	shalt  }
0x72: {  	_ =	shalt  }
0x73: {  	_ =	shalt  }
0x74: {  	_ =	shalt  }
0x75: {  	_ =	shalt  }
0x76: {  	_ =	shalt  }
0x77: {  	_ =	shalt  }
0x78: {  	_ =	shalt  }
0x79: {  	_ =	shalt  }
0x7a: {  	_ =	shalt  }
0x7b: {  	_ =	shalt  }
0x7c: {  	_ =	shalt  }
0x7d: {  	_ =	shalt  }
0x7e: {  	_ =	shalt  }
0x7f: {  	_ =	shalt  }
0x80: {  	_ =	shalt  }
0x81: {  	_ =	shalt  }
0x82: {  	_ =	shalt  }
0x83: {  	_ =	shalt  }
0x84: {  	_ =	shalt  }
0x85: {  	_ =	shalt  }
0x86: {  	_ =	shalt  }
0x87: {  	_ =	shalt  }
.Lfunc_end0:
.L_simem_size_0:
called_computation_lowered:
.L_overlay_start_0:
0x88: {  	s2 =	sld [smem:$0x3FD9]  }
0x89: {  	s3 =	sld [smem:$0x3FFE];
	_ =	sdelay $0x1  }
0x8a: {  	s1 =	srdreg.scid  }
0x8b: {  	s0 =	sand.u32 $0x1, s1  }
0x8c: {  	s17 =	sshll.u32 s0, $0xA;
	s2 =	sadd.s32 s3, s2  }
0x8d: {  	s2 =	sadd.s32 s2, s17  }
0x8e: {  	[smem:$0x3FC4] =	sst s2  }
0x8f: {  	_ = 	snop  }
0x90: {  	s2 =	sld [smem:$0x3FC7]  }
0x91: {  	s18 =	sld [smem:$0x3FC6]  }
0x92: {  	s4 =	sld [smem:$0x3FD0];
	(tm) =	ssettm $0x1  }
0x93: {  	s5 =	sld [smem:$0x3FFB];
	_ =	sdelay $0x3  }
0x94: {  	_ =	strace s5  }
0x95: {  	s5 =	sld [smem:$0x3FFC];
	_ =	sdelay $0x3  }
0x96: {  	_ =	strace s5  }
0x97: {  	s5 =	sld [smem:$0x3FFD];
	_ =	sdelay $0x3  }
0x98: {  	_ =	strace s5  }
0x99: {  	_ =	strace $0x8FFFFFFF  }
0x9a: {  	s19 =	sld [smem:$0x3FDB];
	_ =	sdelay $0x1  }
0x9b: {  	s6 =	simm.s32 $_scs_section_size  }
0x9c: {  	s7 =	simm.s32 $_size__tile_overlayer_lowered;
	s8 =	simm.s32 $_tile_overlayer_lowered  }
0x9d: {  	s22 =	simm.s32 $0x1BFF;
	s21 =	sshll.u32 s8, $0x1;
	s5 =	sadd.s32 s6, s19  }
0x9e: {  	s9 =	simm.s32 $0x0;
	s20 =	sshll.u32 s7, $0x1;
	s7 =	sadd.s32 s21, s5  }
0x9f: {  	[timem:s9], [sflag:s22] =	dma.local [hbm:s7], s20  }
0xa0: {  	_ =	swait.ge [sflag:s22], s20  }
0xa1: {  	s6 =	ssub.s32 $0x0, s20;
	[sflag:s22] =	ssyncset.done $0x0  }
0xa2: {  	[sflag:s22] =	ssyncadd.s32 s6;
	_ =	sdelay $0x1  }
0xa3: {  	s23 =	simm.s32 $0x1B8B  }
0xa4: {  	_ =	swait.ge [sflag:s23], $0x1  }
0xa5: {  	[sflag:s23] =	ssyncset.done $0x0  }
0xa6: {  	s25 =	simm.s32 $0x1B8E;
	s24 =	sld [smem:$0x3FFE];
	[sflag:s23] =	ssyncadd.s32 $0xFFFFFFFF  }
0xa7: {  	s26 =	simm.s32 $execute0_lowered;
	[smem:$0x3FD2] =	sst s25  }
0xa8: {  	s7 =	sshll.u32 s26, $0x1;
	_ =	strace $0x80000046;
	[dreg:$0x1] =	wrdreg $0xFFFFFFFF  }
0xa9: {  	s28 =	simm.s32 $_size_execute0_lowered;
	s5 =	sadd.s32 s5, s7;
	[dreg:$0x0] =	wrdreg $0x0  }
0xaa: {  	s7 =	sshll.u32 s28, $0x1;
	[dreg:$0x2] =	wrdreg s5  }
0xab: {  	[dreg:$0x3] =	wrdreg s7  }
0xac: {  	[dreg:$0x4] =	wrdreg $0xC0  }
0xad: {  	_ =	task [dreg:s9], $0x5FFFF  }
0xae: {  	[dreg:$0x1] =	wrdreg $0xFFFFFFFF  }
0xaf: {  	[dreg:$0x0] =	wrdreg $0x60  }
0xb0: {  	[dreg:$0x2] =	wrdreg s24  }
0xb1: {  	[dreg:$0x3] =	wrdreg s2  }
0xb2: {  	[dreg:$0x4] =	wrdreg s18  }
0xb3: {  	[dreg:$0x5] =	wrdreg s4  }
0xb4: {  	[dreg:$0x6] =	wrdreg $0x9  }
0xb5: {  	_ =	task.clear_ibuf [dreg:s9], $0x7FFFF;
	_ =	strace $0x90000046  }
0xb6: {  	s29 =	simm.s32 $0x9;
	_ =	strace $0x80000048  }
0xb7: {  	_ =	swait.ge [sflag:s29], $0x1  }
0xb8: {  	[sflag:s29] =	ssyncadd.s32 $0xFFFFFFFF  }
0xb9: {  	_ =	strace $0x90000048  }
0xba: {  	_ =	sfence  }
0xbb: {  	s30 =	sld [smem:$0x0];
	_ =	sdelay $0x2  }
0xbc: {  	s31 =	sshll.u32 s1, $0xD;
	s1 =	sshrl.u32 s1, $0x2  }
0xbd: {  	s3 =	sand.u32 $0x4000, s31;
	s1 =	sadd.s32 s1, s30  }
0xbe: {  	s0 =	sor.u32 s3, s0;
	s1 =	sshll.u32 s1, $0x11  }
0xbf: {  	s0 =	sor.u32 s1, s0  }
0xc0: {  	s0 =	sadd.s32 $0x8F2B, s0  }
0xc1: {  	[sflag:s0] =	ssyncadd.remote.s32 $0x1  }
0xc2: {  	_ =	sfence.sel $0xFFFF  }
0xc3: {  	[dreg:$0x0] =	wrdreg $0xFFFFFFFF;
	(pc) =	sbr.abs _section_cstart, $3  }
0xc4: {  	[dreg:$0x1] =	wrdreg $0xFFFFFFFF  }
0xc5: {  	_ =	task.clear_ibuf [dreg:s9], $0x2FFFF;
	_ =	strace $0x9FFFFFFF  }
0xc6: {  	(tm) =	ssettm $0x7FFFFFFF  }
0xc7: {  	_ =	shalt  }
tec
execute0_lowered:
.L_overlay_start_1:
0x0: {  	(tag) =	ssettag $0x1  }
0x1: {  	v0 =	vimm.s32 $0x1380;
	vm14 =	vcmask $0x300;
	vm13 =	vcmask $0x704  }
0x2: {  	vm12 =	vcmask $0xB08;
	vm11 =	vcmask $0xF0C;
	vm10 =	vcmask $0x1310  }
0x3: {  	vm9 =	vcmask $0x1714;
	vm8 =	vcmask $0x1B18;
	vm7 =	vcmask $0x1F1C  }
0x4: {  	vm6 =	vcmask $0x2320;
	vm5 =	vcmask $0x2724;
	vm4 =	vcmask $0x2B28  }
0x5: {  	vm0 =	vcmask $0x2F2C;
	vm1 =	vcmask $0x3330;
	vm2 =	vcmask $0x3734  }
0x6: {  	vm3 =	vcmask $0x3B38;
	v4 =	vimm.s32 $0x3380;
	v5 =	vimm.s32 $0x5380  }
0x7: {  	v6 =	vimm.s32 $0x7380;
	v0 =	vsel vm14, $0x0, v0;
	v4 =	vsel vm14, $0x2000, v4  }
0x8: {  	v5 =	vsel vm14, $0x4000, v5;
	v6 =	vsel vm14, $0x6000, v6;
	v0 =	vsel vm13, $0x80, v0  }
0x9: {  	v4 =	vsel vm13, $0x2080, v4;
	v5 =	vsel vm13, $0x4080, v5;
	v6 =	vsel vm13, $0x6080, v6  }
0xa: {  	v0 =	vsel vm12, $0x100, v0;
	v4 =	vsel vm12, $0x2100, v4;
	v5 =	vsel vm12, $0x4100, v5  }
0xb: {  	v6 =	vsel vm12, $0x6100, v6;
	v0 =	vsel vm11, $0x180, v0;
	v4 =	vsel vm11, $0x2180, v4  }
0xc: {  	s9 =	rddreg [dreg:$0x0];
	v5 =	vsel vm11, $0x4180, v5;
	v6 =	vsel vm11, $0x6180, v6;
	v0 =	vsel vm10, $0x200, v0  }
0xd: {  	s2 =	rddreg [dreg:$0x1];
	v4 =	vsel vm10, $0x2200, v4;
	v5 =	vsel vm10, $0x4200, v5;
	v6 =	vsel vm10, $0x6200, v6  }
0xe: {  	s0 =	srdreg.scid;
	s3 =	rddreg [dreg:$0x2];
	v0 =	vsel vm9, $0x280, v0;
	v4 =	vsel vm9, $0x2280, v4;
	v5 =	vsel vm9, $0x4280, v5  }
0xf: {  	s8 =	stileid.u32;
	s5 =	rddreg [dreg:$0x3];
	s6 =	simm.s32 $0x0;
	v6 =	vsel vm9, $0x6280, v6;
	v0 =	vsel vm8, $0x300, v0;
	v4 =	vsel vm8, $0x2300, v4  }
0x10: {  	s15 =	simm.s32 $0x4;
	s17 =	simm.s32 $0x11880;
	s18 =	simm.s32 $0x80;
	v5 =	vsel vm8, $0x4300, v5;
	v6 =	vsel vm8, $0x6300, v6;
	v0 =	vsel vm7, $0x380, v0  }
0x11: {  	s14 =	simm.s32 $0x1000;
	s16 =	simm.s32 $0x7A1400;
	s19 =	simm.s32 $0x2;
	v4 =	vsel vm7, $0x2380, v4;
	v5 =	vsel vm7, $0x4380, v5;
	v6 =	vsel vm7, $0x6380, v6  }
0x12: {  	s20 =	simm.s32 $0x3;
	s0 =	sand.u32 $0x1, s0;
	s1 =	sshll.u32 s8, $0x1;
	v0 =	vsel vm6, $0x1000, v0;
	v4 =	vsel vm6, $0x3000, v4;
	v5 =	vsel vm6, $0x5000, v5  }
0x13: {  	[smem:$0x7FF] =	sst s6;
	s24 =	sadd.s32 $0x800, s9;
	s1 =	sor.u32 s0, s1;
	v6 =	vsel vm6, $0x7000, v6;
	v0 =	vsel vm5, $0x1080, v0;
	v4 =	vsel vm5, $0x3080, v4  }
0x14: {  	s26 =	sadd.s32 $0x1000, s9;
	s4 =	smul.u32 $0x7A12, s1;
	s1 =	sand.u32 $0x7, s1;
	v5 =	vsel vm5, $0x5080, v5;
	v6 =	vsel vm5, $0x7080, v6;
	v1 =	vsel vm4, $0x1100, v0  }
0x15: {  	_ =	strace $0x80000047;
	[dreg:$0x5] =	wrdreg s24;
	v0 =	vmov s1;
	s1 =	sadd.s32 $0x1, s1;
	v4 =	vsel vm4, $0x3100, v4;
	v5 =	vsel vm4, $0x5100, v5  }
0x16: {  	s8 =	sshll.u32 s8, $0x3;
	[dreg:$0x6] =	wrdreg s26;
	s7 =	sand.u32 $0xFFF80, s4;
	v6 =	vsel vm4, $0x7100, v6;
	v2 =	vsel vm0, $0x1180, v1;
	v1 =	vmov s1  }
0x17: {  	s0 =	ssub.s32 $0x2, s0;
	s29 =	sand.u32 $0x60, s8;
	s25 =	smin.u32 s7, $0xEC480;
	v4 =	vsel vm0, $0x3180, v4;
	v5 =	vsel vm0, $0x5180, v5;
	v6 =	vsel vm0, $0x7180, v6  }
.Ltmp0:
0x18: {  	s28 =	sshrl.u32 s0, $0x1;
	s13 =	sadd.s32 $0x7E00, s25;
	v2 =	vsel vm1, $0x1200, v2;
	v4 =	vsel vm1, $0x3200, v4;
	v7 =	vsel vm1, $0x5200, v5;
	(pc) =	sbr.rel .LBB2_1-.Ltmp0, $4  }
0x19: {  	s31 =	sshrl.u32 s29, $0x2;
	s0 =	ssub.s32 s0, s28;
	s10 =	sadd.s32 $0x7C00, s25;
	v6 =	vsel vm1, $0x7200, v6;
	v5 =	vmov s13;
	v3 =	vsel vm2, $0x1280, v2  }
0x1a: {  	s11 =	sadd.s32 $0x1200, s9;
	[dreg:$0x9] =	wrdreg s31;
	s0 =	smax.u32 s0, $0x1;
	v2 =	vmov s10;
	v4 =	vsel vm2, $0x3280, v4;
	v7 =	vsel vm2, $0x5280, v7  }
0x1b: {  	s9 =	simm.s32 $0x1;
	s30 =	sadd.s32 s2, s7;
	[dreg:$0x8] =	wrdreg s0;
	v8 =	vsel vm2, $0x7280, v6;
	v3 =	vsel vm3, $0x1300, v3;
	v4 =	vsel vm3, $0x3300, v4  }
0x1c: {  	s4 =	simm.s32 $0x0;
	[dreg:$0x7] =	wrdreg s30;
	s1 =	simm.s32 $0x1880;
	v6 =	vsel vm3, $0x5300, v7;
	v7 =	vsel vm3, $0x7300, v8;
	v8 =	vimm.s32 $0x0  }
.LBB2_2:
0x1d: {  	_ =	swait.ge [sflag:s20], $0x40  }
0x1e: {  	[sflag:s20] =	ssyncset.done $0x0  }
0x1f: {  	[sflag:s20] =	ssyncadd.s32 $0xFFFFFFC0  }
0x20: {  	_ =	swait.ge [sflag:s20], $0x40  }
0x21: {  	[sflag:s20] =	ssyncset.done $0x0  }
0x22: {  	[sflag:s20] =	ssyncadd.s32 $0xFFFFFFC0  }
0x23: {  	_ =	swait.ge [sflag:s20], $0x40  }
0x24: {  	[sflag:s20] =	ssyncset.done $0x0  }
0x25: {  	[sflag:s20] =	ssyncadd.s32 $0xFFFFFFC0  }
0x26: {  	_ =	swait.ge [sflag:s20], $0x40  }
0x27: {  	[sflag:s20] =	ssyncset.done $0x0  }
0x28: {  	[sflag:s20] =	ssyncadd.s32 $0xFFFFFFC0  }
0x29: {  	_ =	swait.ge [sflag:s20], $0x40  }
0x2a: {  	[sflag:s20] =	ssyncset.done $0x0  }
0x2b: {  	[sflag:s20] =	ssyncadd.s32 $0xFFFFFFC0  }
0x2c: {  	_ =	swait.ge [sflag:s20], $0x40  }
0x2d: {  	[sflag:s20] =	ssyncset.done $0x0  }
0x2e: {  	[sflag:s20] =	ssyncadd.s32 $0xFFFFFFC0  }
0x2f: {  	_ =	swait.ge [sflag:s20], $0x40  }
0x30: {  	[sflag:s20] =	ssyncset.done $0x0  }
0x31: {  	[sflag:s20] =	ssyncadd.s32 $0xFFFFFFC0  }
0x32: {  	_ =	swait.ge [sflag:s20], $0x40  }
0x33: {  	[sflag:s20] =	ssyncset.done $0x0  }
0x34: {  	[sflag:s20] =	ssyncadd.s32 $0xFFFFFFC0  }
0x35: {  	_ =	swait.ge [sflag:s20], $0x40  }
0x36: {  	[sflag:s20] =	ssyncset.done $0x0  }
0x37: {  	[sflag:s20] =	ssyncadd.s32 $0xFFFFFFC0  }
0x38: {  	_ =	swait.ge [sflag:s20], $0x40  }
0x39: {  	[sflag:s20] =	ssyncset.done $0x0  }
0x3a: {  	[sflag:s20] =	ssyncadd.s32 $0xFFFFFFC0  }
0x3b: {  	_ =	swait.ge [sflag:s20], $0x40  }
0x3c: {  	[sflag:s20] =	ssyncset.done $0x0  }
0x3d: {  	[sflag:s20] =	ssyncadd.s32 $0xFFFFFFC0  }
0x3e: {  	_ =	swait.ge [sflag:s20], $0x40  }
0x3f: {  	[sflag:s20] =	ssyncset.done $0x0  }
0x40: {  	[sflag:s20] =	ssyncadd.s32 $0xFFFFFFC0  }
0x41: {  	_ =	swait.ge [sflag:s20], $0x40  }
0x42: {  	[sflag:s20] =	ssyncset.done $0x0  }
0x43: {  	[sflag:s20] =	ssyncadd.s32 $0xFFFFFFC0  }
0x44: {  	_ =	swait.ge [sflag:s20], $0x40  }
0x45: {  	[sflag:s20] =	ssyncset.done $0x0  }
0x46: {  	[sflag:s20] =	ssyncadd.s32 $0xFFFFFFC0  }
0x47: {  	_ =	swait.ge [sflag:s20], $0x40  }
0x48: {  	[sflag:s20] =	ssyncset.done $0x0  }
0x49: {  	[sflag:s20] =	ssyncadd.s32 $0xFFFFFFC0  }
0x4a: {  	_ =	swait.ge [sflag:s20], $0x40  }
0x4b: {  	[sflag:s20] =	ssyncset.done $0x0  }
0x4c: {  	[sflag:s20] =	ssyncadd.s32 $0xFFFFFFC0  }
0x4d: {  	_ =	swait.ge [sflag:s20], $0x40  }
0x4e: {  	[sflag:s20] =	ssyncset.done $0x0  }
0x4f: {  	[sflag:s20] =	ssyncadd.s32 $0xFFFFFFC0  }
0x50: {  	_ =	swait.ge [sflag:s20], $0x40  }
0x51: {  	[sflag:s20] =	ssyncset.done $0x0  }
0x52: {  	[sflag:s20] =	ssyncadd.s32 $0xFFFFFFC0  }
0x53: {  	_ =	swait.ge [sflag:s20], $0x40  }
0x54: {  	[sflag:s20] =	ssyncset.done $0x0  }
0x55: {  	[sflag:s20] =	ssyncadd.s32 $0xFFFFFFC0  }
0x56: {  	_ =	swait.ge [sflag:s20], $0x40  }
0x57: {  	[sflag:s20] =	ssyncset.done $0x0  }
0x58: {  	[sflag:s20] =	ssyncadd.s32 $0xFFFFFFC0  }
0x59: {  	_ =	swait.ge [sflag:s20], $0x40  }
0x5a: {  	[sflag:s20] =	ssyncset.done $0x0  }
0x5b: {  	[sflag:s20] =	ssyncadd.s32 $0xFFFFFFC0  }
0x5c: {  	_ =	swait.ge [sflag:s20], $0x40  }
0x5d: {  	[sflag:s20] =	ssyncset.done $0x0  }
0x5e: {  	[sflag:s20] =	ssyncadd.s32 $0xFFFFFFC0  }
0x5f: {  	_ =	swait.ge [sflag:s20], $0x40  }
0x60: {  	[sflag:s20] =	ssyncset.done $0x0  }
0x61: {  	[sflag:s20] =	ssyncadd.s32 $0xFFFFFFC0  }
0x62: {  	_ =	swait.ge [sflag:s20], $0x40  }
0x63: {  	[sflag:s20] =	ssyncset.done $0x0  }
0x64: {  	[sflag:s20] =	ssyncadd.s32 $0xFFFFFFC0  }
0x65: {  	_ =	swait.ge [sflag:s20], $0x40  }
0x66: {  	[sflag:s20] =	ssyncset.done $0x0  }
0x67: {  	[sflag:s20] =	ssyncadd.s32 $0xFFFFFFC0  }
0x68: {  	_ =	swait.ge [sflag:s20], $0x40  }
0x69: {  	[sflag:s20] =	ssyncset.done $0x0  }
0x6a: {  	[sflag:s20] =	ssyncadd.s32 $0xFFFFFFC0  }
0x6b: {  	_ =	swait.ge [sflag:s20], $0x40  }
0x6c: {  	[sflag:s20] =	ssyncset.done $0x0  }
0x6d: {  	[sflag:s20] =	ssyncadd.s32 $0xFFFFFFC0  }
0x6e: {  	_ =	swait.ge [sflag:s20], $0x40  }
0x6f: {  	[sflag:s20] =	ssyncset.done $0x0  }
0x70: {  	[sflag:s20] =	ssyncadd.s32 $0xFFFFFFC0  }
0x71: {  	_ =	swait.ge [sflag:s20], $0x40  }
0x72: {  	[sflag:s20] =	ssyncset.done $0x0  }
0x73: {  	[sflag:s20] =	ssyncadd.s32 $0xFFFFFFC0  }
0x74: {  	_ =	swait.ge [sflag:s20], $0x40  }
0x75: {  	[sflag:s20] =	ssyncset.done $0x0  }
0x76: {  	[sflag:s20] =	ssyncadd.s32 $0xFFFFFFC0  }
0x77: {  	_ =	swait.ge [sflag:s20], $0x40  }
0x78: {  	[sflag:s20] =	ssyncset.done $0x0  }
0x79: {  	[sflag:s20] =	ssyncadd.s32 $0xFFFFFFC0  }
0x7a: {  	_ =	swait.ge [sflag:s20], $0x40  }
0x7b: {  	s4 =	rddreg [dreg:$0xa]  }
0x7c: {  	s0 =	rddreg [dreg:$0x8];
	s4 =	sadd.s32 $0x1, s4  }
0x7d: {  	p0 =	seq.s32 s4, s0  }
.Ltmp1:
0x7e: {  	_ = 	snop;
	(pc) =	sbr.rel @p0 .LBB2_3-.Ltmp1, $3  }
0x7f: {  	_ =	sdelay $0x1  }
0x80: {  	[sflag:s20] =	ssyncset.done $0x0  }
0x81: {  	[sflag:s20] =	ssyncadd.s32 $0xFFFFFFC0  }
.LBB2_1:
0x82: {  	[dreg:$0xa] =	wrdreg s4  }
0x83: {  	s0 =	rddreg [dreg:$0x6]  }
0x84: {  	[tilespmem:s6], [sflag:$0x4] =	stream.linear.gather [hbm4b:s0+s6], $0x80, $0x38;
	[tilespmem:$0x12080] =	vst v63  }
0x85: {  	_ =	swait.ge [sflag:s15], $0x80  }
0x86: {  	[sflag:s15] =	ssyncset.done $0x0  }
0x87: {  	s30 =	rddreg [dreg:$0x9];
	[sflag:s15] =	ssyncadd.s32 $0xFFFFFF80  }
0x88: {  	v9 =	vld [tilespmem:s30+$0x0];
	[hbm4b:s11+s6] =	stream.linear.scatter [tilespmem:s17], [sflag:$0x3], $0x40, $0x38  }
0x89: {  	_ = 	snop  }
0x8a: {  	[hbm4b:s11+s6] =	stream.linear.scatter [tilespmem:s17], [sflag:$0x3], $0x40, $0x38;
	[tilespmem:$0x12080] =	vst v63  }
0x8b: {  	_ = 	snop  }
0x8c: {  	[hbm4b:s11+s6] =	stream.linear.scatter [tilespmem:s17], [sflag:$0x3], $0x40, $0x38;
	[tilespmem:$0x12080] =	vst v63  }
0x8d: {  	_ = 	snop  }
0x8e: {  	[hbm4b:s11+s6] =	stream.linear.scatter [tilespmem:s17], [sflag:$0x3], $0x40, $0x38;
	[tilespmem:$0x12080] =	vst v63  }
0x8f: {  	_ = 	snop  }
0x90: {  	[hbm4b:s11+s6] =	stream.linear.scatter [tilespmem:s17], [sflag:$0x3], $0x40, $0x38;
	[tilespmem:$0x12080] =	vst v63  }
0x91: {  	_ = 	snop  }
0x92: {  	[hbm4b:s11+s6] =	stream.linear.scatter [tilespmem:s17], [sflag:$0x3], $0x40, $0x38;
	[tilespmem:$0x12080] =	vst v63  }
0x93: {  	_ = 	snop  }
0x94: {  	[hbm4b:s11+s6] =	stream.linear.scatter [tilespmem:s17], [sflag:$0x3], $0x40, $0x38;
	[tilespmem:$0x12080] =	vst v63  }
0x95: {  	_ = 	snop  }
0x96: {  	[hbm4b:s11+s6] =	stream.linear.scatter [tilespmem:s17], [sflag:$0x3], $0x40, $0x38;
	[tilespmem:$0x12080] =	vst v63  }
0x97: {  	_ = 	snop  }
0x98: {  	[hbm4b:s11+s6] =	stream.linear.scatter [tilespmem:s17], [sflag:$0x3], $0x40, $0x38;
	[tilespmem:$0x12080] =	vst v63  }
0x99: {  	_ = 	snop  }
0x9a: {  	[hbm4b:s11+s6] =	stream.linear.scatter [tilespmem:s17], [sflag:$0x3], $0x40, $0x38;
	[tilespmem:$0x12080] =	vst v63  }
0x9b: {  	_ = 	snop  }
0x9c: {  	[hbm4b:s11+s6] =	stream.linear.scatter [tilespmem:s17], [sflag:$0x3], $0x40, $0x38;
	[tilespmem:$0x12080] =	vst v63  }
0x9d: {  	_ = 	snop  }
0x9e: {  	[hbm4b:s11+s6] =	stream.linear.scatter [tilespmem:s17], [sflag:$0x3], $0x40, $0x38;
	[tilespmem:$0x12080] =	vst v63  }
0x9f: {  	_ = 	snop  }
0xa0: {  	[hbm4b:s11+s6] =	stream.linear.scatter [tilespmem:s17], [sflag:$0x3], $0x40, $0x38;
	[tilespmem:$0x12080] =	vst v63  }
0xa1: {  	_ = 	snop  }
0xa2: {  	[hbm4b:s11+s6] =	stream.linear.scatter [tilespmem:s17], [sflag:$0x3], $0x40, $0x38;
	[tilespmem:$0x12080] =	vst v63  }
0xa3: {  	_ = 	snop  }
0xa4: {  	[hbm4b:s11+s6] =	stream.linear.scatter [tilespmem:s17], [sflag:$0x3], $0x40, $0x38;
	[tilespmem:$0x12080] =	vst v63  }
0xa5: {  	_ = 	snop  }
0xa6: {  	[hbm4b:s11+s6] =	stream.linear.scatter [tilespmem:s17], [sflag:$0x3], $0x40, $0x38;
	[tilespmem:$0x12080] =	vst v63  }
0xa7: {  	_ = 	snop  }
0xa8: {  	[hbm4b:s11+s6] =	stream.linear.scatter [tilespmem:s17], [sflag:$0x3], $0x40, $0x38;
	[tilespmem:$0x12080] =	vst v63  }
0xa9: {  	_ = 	snop  }
0xaa: {  	[hbm4b:s11+s6] =	stream.linear.scatter [tilespmem:s17], [sflag:$0x3], $0x40, $0x38;
	[tilespmem:$0x12080] =	vst v63  }
0xab: {  	_ = 	snop  }
0xac: {  	v10 =	vperm.xlane v9, v0;
	[hbm4b:s11+s6] =	stream.linear.scatter [tilespmem:s17], [sflag:$0x3], $0x40, $0x38;
	[tilespmem:$0x12080] =	vst v63  }
0xad: {  	_ = 	snop  }
0xae: {  	v9 =	vperm.xlane v9, v1;
	(v2sf) =	vpush v10, $0x0;
	[hbm4b:s11+s6] =	stream.linear.scatter [tilespmem:s17], [sflag:$0x3], $0x40, $0x38;
	[tilespmem:$0x12080] =	vst v63  }
0xaf: {  	_ = 	snop  }
0xb0: {  	(v2sf) =	vpush v9, $0x0;
	[hbm4b:s11+s6] =	stream.linear.scatter [tilespmem:s17], [sflag:$0x3], $0x40, $0x38;
	[tilespmem:$0x12080] =	vst v63  }
0xb1: {  	_ = 	snop  }
0xb2: {  	[hbm4b:s11+s6] =	stream.linear.scatter [tilespmem:s17], [sflag:$0x3], $0x40, $0x38;
	[tilespmem:$0x12080] =	vst v63  }
0xb3: {  	_ = 	snop  }
0xb4: {  	[hbm4b:s11+s6] =	stream.linear.scatter [tilespmem:s17], [sflag:$0x3], $0x40, $0x38;
	[tilespmem:$0x12080] =	vst v63  }
0xb5: {  	_ = 	snop  }
0xb6: {  	[hbm4b:s11+s6] =	stream.linear.scatter [tilespmem:s17], [sflag:$0x3], $0x40, $0x38;
	[tilespmem:$0x12080] =	vst v63  }
0xb7: {  	_ = 	snop  }
0xb8: {  	[hbm4b:s11+s6] =	stream.linear.scatter [tilespmem:s17], [sflag:$0x3], $0x40, $0x38;
	[tilespmem:$0x12080] =	vst v63  }
0xb9: {  	_ = 	snop  }
0xba: {  	[hbm4b:s11+s6] =	stream.linear.scatter [tilespmem:s17], [sflag:$0x3], $0x40, $0x38;
	[tilespmem:$0x12080] =	vst v63  }
0xbb: {  	_ = 	snop  }
0xbc: {  	[hbm4b:s11+s6] =	stream.linear.scatter [tilespmem:s17], [sflag:$0x3], $0x40, $0x38;
	[tilespmem:$0x12080] =	vst v63  }
0xbd: {  	s31 =	spop (v2sf)  }
0xbe: {  	[hbm4b:s11+s6] =	stream.linear.scatter [tilespmem:s17], [sflag:$0x3], $0x40, $0x38;
	[tilespmem:$0x12080] =	vst v63  }
0xbf: {  	s21 =	spop (v2sf);
	s22 =	sand.u32 $0xFFFFFFF8, s31  }
0xc0: {  	[hbm4b:s11+s6] =	stream.linear.scatter [tilespmem:s17], [sflag:$0x3], $0x40, $0x38;
	[tilespmem:$0x12080] =	vst v63  }
0xc1: {  	p0 =	slt.s32 s22, s21  }
0xc2: {  	[hbm4b:s11+s6] =	stream.linear.scatter [tilespmem:s17], [sflag:$0x3], $0x40, $0x38;
	[tilespmem:$0x12080] =	vst v63  }
.Ltmp2:
0xc3: {  	_ = 	snop;
	(pc) =	sbr.rel @p0 .LBB2_4-.Ltmp2, $4  }
.Ltmp3:
0xc4: {  	_ = 	snop;
	(pc) =	sbr.rel @!p0 .LBB2_2-.Ltmp3, $4  }
0xc5: {  	[hbm4b:s11+s6] =	stream.linear.scatter [tilespmem:s17], [sflag:$0x3], $0x40, $0x38;
	[tilespmem:$0x12080] =	vst v63  }
0xc6: {  	_ = 	snop  }
0xc7: {  	[hbm4b:s11+s6] =	stream.linear.scatter [tilespmem:s17], [sflag:$0x3], $0x40, $0x38;
	[tilespmem:$0x12080] =	vst v63  }
0xc8: {  	_ = 	snop  }
.LBB2_29:
0xc9: {  	s0 =	sand.u32 $0xFFFFFFF8, s22  }
0xca: {  	s22 =	sadd.s32 $0x800, s0  }
0xcb: {  	p0 =	slt.s32 s22, s21  }
.Ltmp4:
0xcc: {  	_ = 	snop;
	(pc) =	sbr.rel @!p0 .LBB2_2-.Ltmp4, $1  }
0xcd: {  	_ =	sdelay $0x3  }
.LBB2_4:
0xce: {  	p0 =	slt.s32 s22, $0x3800  }
0xcf: {  	s22 =	simm.s32 @!p0 $0x3800  }
0xd0: {  	s4 =	rddreg [dreg:$0x5];
	s0 =	sshrl.u32 s22, $0x3  }
0xd1: {  	s23 =	simm.s32 $0x0;
	s4 =	sadd.s32 s4, s0  }
0xd2: {  	[tilespmem:s18], [sflag:$0x4] =	stream.linear.gather [hbm4b:s4+s23], $0x800, $0x38;
	[tilespmem:$0x12080] =	vst v63  }
0xd3: {  	_ =	swait.ge [sflag:s15], $0x800  }
0xd4: {  	[sflag:s15] =	ssyncset.done $0x0  }
0xd5: {  	[sflag:s15] =	ssyncadd.s32 $0xFFFFF800  }
0xd6: {  	s26 =	rddreg [dreg:$0x0]  }
0xd7: {  	s28 =	simm.s32 $0x880;
	s0 =	sadd.s32 s26, s0  }
0xd8: {  	[tilespmem:s28], [sflag:$0x4] =	stream.linear.gather [hbm4b:s0+s23], $0x800, $0x38;
	[tilespmem:$0x12080] =	vst v63  }
0xd9: {  	_ =	swait.ge [sflag:s15], $0x800  }
0xda: {  	[sflag:s15] =	ssyncset.done $0x0  }
0xdb: {  	s29 =	simm.s32 $0x1080;
	[sflag:s15] =	ssyncadd.s32 $0xFFFFF800  }
0xdc: {  	[tilespmem:s29], [sflag:$0x1] =	stream.indirect.gather [hbm4b:s3+s18], $0x1, s18, s18, $0xb8;
	[tilespmem:$0x12080] =	vst v63  }
0xdd: {  	s30 =	simm.s32 $0x100;
	s31 =	simm.s32 $0x1100  }
0xde: {  	[tilespmem:s31], [sflag:$0x1] =	stream.indirect.gather [hbm4b:s3+s18], $0x1, s30, s18, $0xb8;
	[tilespmem:$0x12080] =	vst v63  }
0xdf: {  	s8 =	simm.s32 $0x1180;
	s4 =	simm.s32 $0x180  }
0xe0: {  	[tilespmem:s8], [sflag:$0x1] =	stream.indirect.gather [hbm4b:s3+s18], $0x1, s4, s18, $0xb8;
	[tilespmem:$0x12080] =	vst v63  }
0xe1: {  	s12 =	simm.s32 $0x200;
	s24 =	simm.s32 $0x1200  }
0xe2: {  	[tilespmem:s24], [sflag:$0x1] =	stream.indirect.gather [hbm4b:s3+s18], $0x1, s12, s18, $0xb8;
	[tilespmem:$0x12080] =	vst v63  }
0xe3: {  	s25 =	simm.s32 $0x280;
	s26 =	simm.s32 $0x1280  }
0xe4: {  	[tilespmem:s26], [sflag:$0x1] =	stream.indirect.gather [hbm4b:s3+s18], $0x1, s25, s18, $0xb8;
	[tilespmem:$0x12080] =	vst v63  }
0xe5: {  	s28 =	simm.s32 $0x300;
	s29 =	simm.s32 $0x1300  }
0xe6: {  	[tilespmem:s29], [sflag:$0x1] =	stream.indirect.gather [hbm4b:s3+s18], $0x1, s28, s18, $0xb8;
	[tilespmem:$0x12080] =	vst v63  }
0xe7: {  	s30 =	simm.s32 $0x380;
	s31 =	simm.s32 $0x1380  }
0xe8: {  	[tilespmem:s31], [sflag:$0x1] =	stream.indirect.gather [hbm4b:s3+s18], $0x1, s30, s18, $0xb8;
	[tilespmem:$0x12080] =	vst v63  }
0xe9: {  	s4 =	simm.s32 $0x400;
	s8 =	simm.s32 $0x1400  }
0xea: {  	[tilespmem:s8], [sflag:$0x1] =	stream.indirect.gather [hbm4b:s3+s18], $0x1, s4, s18, $0xb8;
	[tilespmem:$0x12080] =	vst v63  }
0xeb: {  	s12 =	simm.s32 $0x480;
	s24 =	simm.s32 $0x1480  }
0xec: {  	[tilespmem:s24], [sflag:$0x1] =	stream.indirect.gather [hbm4b:s3+s18], $0x1, s12, s18, $0xb8;
	[tilespmem:$0x12080] =	vst v63  }
0xed: {  	s25 =	simm.s32 $0x500;
	s26 =	simm.s32 $0x1500  }
0xee: {  	[tilespmem:s26], [sflag:$0x1] =	stream.indirect.gather [hbm4b:s3+s18], $0x1, s25, s18, $0xb8;
	[tilespmem:$0x12080] =	vst v63  }
0xef: {  	s28 =	simm.s32 $0x580;
	s29 =	simm.s32 $0x1580  }
0xf0: {  	[tilespmem:s29], [sflag:$0x1] =	stream.indirect.gather [hbm4b:s3+s18], $0x1, s28, s18, $0xb8;
	[tilespmem:$0x12080] =	vst v63  }
0xf1: {  	s30 =	simm.s32 $0x600;
	s31 =	simm.s32 $0x1600  }
0xf2: {  	[tilespmem:s31], [sflag:$0x1] =	stream.indirect.gather [hbm4b:s3+s18], $0x1, s30, s18, $0xb8;
	[tilespmem:$0x12080] =	vst v63  }
0xf3: {  	s8 =	simm.s32 $0x680;
	s12 =	simm.s32 $0x1680  }
0xf4: {  	[tilespmem:s12], [sflag:$0x1] =	stream.indirect.gather [hbm4b:s3+s18], $0x1, s8, s18, $0xb8;
	[tilespmem:$0x12080] =	vst v63  }
0xf5: {  	s24 =	simm.s32 $0x700;
	s25 =	simm.s32 $0x1700  }
0xf6: {  	[tilespmem:s25], [sflag:$0x1] =	stream.indirect.gather [hbm4b:s3+s18], $0x1, s24, s18, $0xb8;
	[tilespmem:$0x12080] =	vst v63  }
0xf7: {  	s26 =	simm.s32 $0x780;
	s28 =	simm.s32 $0x1780  }
0xf8: {  	[tilespmem:s28], [sflag:$0x1] =	stream.indirect.gather [hbm4b:s3+s18], $0x1, s26, s18, $0xb8;
	[tilespmem:$0x12080] =	vst v63  }
0xf9: {  	s29 =	simm.s32 $0x800;
	s30 =	simm.s32 $0x1800  }
0xfa: {  	[tilespmem:s30], [sflag:$0x1] =	stream.indirect.gather [hbm4b:s3+s18], $0x1, s29, s18, $0xb8;
	[tilespmem:$0x12080] =	vst v63  }
0xfb: {  	_ =	swait.ge [sflag:s9], $0x80  }
0xfc: {  	[sflag:s9] =	ssyncset.done $0x0  }
0xfd: {  	[sflag:s9] =	ssyncadd.s32 $0xFFFFFF80  }
0xfe: {  	_ =	swait.ge [sflag:s9], $0x80  }
0xff: {  	[sflag:s9] =	ssyncset.done $0x0  }
0x100: {  	[sflag:s9] =	ssyncadd.s32 $0xFFFFFF80  }
0x101: {  	_ =	swait.ge [sflag:s9], $0x80  }
0x102: {  	[sflag:s9] =	ssyncset.done $0x0  }
0x103: {  	[sflag:s9] =	ssyncadd.s32 $0xFFFFFF80  }
0x104: {  	_ =	swait.ge [sflag:s9], $0x80  }
0x105: {  	[sflag:s9] =	ssyncset.done $0x0  }
0x106: {  	[sflag:s9] =	ssyncadd.s32 $0xFFFFFF80  }
0x107: {  	_ =	swait.ge [sflag:s9], $0x80  }
0x108: {  	[sflag:s9] =	ssyncset.done $0x0  }
0x109: {  	[sflag:s9] =	ssyncadd.s32 $0xFFFFFF80  }
0x10a: {  	_ =	swait.ge [sflag:s9], $0x80  }
0x10b: {  	[sflag:s9] =	ssyncset.done $0x0  }
0x10c: {  	[sflag:s9] =	ssyncadd.s32 $0xFFFFFF80  }
0x10d: {  	_ =	swait.ge [sflag:s9], $0x80  }
0x10e: {  	[sflag:s9] =	ssyncset.done $0x0  }
0x10f: {  	[sflag:s9] =	ssyncadd.s32 $0xFFFFFF80  }
0x110: {  	_ =	swait.ge [sflag:s9], $0x80  }
0x111: {  	[sflag:s9] =	ssyncset.done $0x0  }
0x112: {  	[sflag:s9] =	ssyncadd.s32 $0xFFFFFF80  }
0x113: {  	_ =	swait.ge [sflag:s9], $0x80  }
0x114: {  	[sflag:s9] =	ssyncset.done $0x0  }
0x115: {  	[sflag:s9] =	ssyncadd.s32 $0xFFFFFF80  }
0x116: {  	_ =	swait.ge [sflag:s9], $0x80  }
0x117: {  	[sflag:s9] =	ssyncset.done $0x0  }
0x118: {  	[sflag:s9] =	ssyncadd.s32 $0xFFFFFF80  }
0x119: {  	_ =	swait.ge [sflag:s9], $0x80  }
0x11a: {  	[sflag:s9] =	ssyncset.done $0x0  }
0x11b: {  	[sflag:s9] =	ssyncadd.s32 $0xFFFFFF80  }
0x11c: {  	_ =	swait.ge [sflag:s9], $0x80  }
0x11d: {  	[sflag:s9] =	ssyncset.done $0x0  }
0x11e: {  	[sflag:s9] =	ssyncadd.s32 $0xFFFFFF80  }
0x11f: {  	_ =	swait.ge [sflag:s9], $0x80  }
0x120: {  	[sflag:s9] =	ssyncset.done $0x0  }
0x121: {  	[sflag:s9] =	ssyncadd.s32 $0xFFFFFF80  }
0x122: {  	_ =	swait.ge [sflag:s9], $0x80  }
0x123: {  	[sflag:s9] =	ssyncset.done $0x0  }
0x124: {  	[sflag:s9] =	ssyncadd.s32 $0xFFFFFF80  }
0x125: {  	_ =	swait.ge [sflag:s9], $0x80  }
0x126: {  	[sflag:s9] =	ssyncset.done $0x0  }
.Ltmp5:
0x127: {  	[sflag:s9] =	ssyncadd.s32 $0xFFFFFF80;
	(pc) =	sbr.rel .LBB2_5-.Ltmp5, $4  }
0x128: {  	_ =	swait.ge [sflag:s9], $0x80  }
0x129: {  	s0 =	simm.s32 $0x0;
	[sflag:s9] =	ssyncset.done $0x0  }
0x12a: {  	s4 =	simm.s32 $0x0;
	s31 =	rddreg [dreg:$0x7];
	[sflag:s9] =	ssyncadd.s32 $0xFFFFFF80  }
0x12b: {  	[tilespmem:s1], [sflag:$0x2] =	stream.strided.gather [hbm4b:s31+s14], $0x8000, s16, s14, $0x38;
	[tilespmem:$0x12080] =	vst v63  }
.LBB2_16:
0x12c: {  	s0 =	smov.u32 s28;
	s4 =	smov.u32 s23  }
0x12d: {  	s0 =	smov.u32 @p0 s28;
	s4 =	smov.u32 @p0 s23  }
0x12e: {  	s28 =	smov.u32 @p1 s0;
	s23 =	smov.u32 @p1 s4  }
.LBB2_17:
0x12f: {  	p0 =	sne.s32 s24, $0x3E  }
.Ltmp6:
0x130: {  	_ = 	snop;
	(pc) =	sbr.rel @!p0 .LBB2_18-.Ltmp6, $2  }
0x131: {  	_ =	sdelay $0x2  }
0x132: {  	s4 =	sand.u32 $0x3F00, s28;
	s0 =	smov.u32 s24  }
.LBB2_5:
0x133: {  	s24 =	sadd.s32 $0x1, s0  }
0x134: {  	s8 =	sshll.u32 s24, $0x9  }
0x135: {  	s12 =	sshll.u32 s24, $0xF;
	s8 =	sadd.s32 s7, s8  }
0x136: {  	s12 =	sand.u32 $0x8000, s12;
	s8 =	smin.u32 s8, $0xF4080  }
0x137: {  	s12 =	sor.u32 $0x1880, s12;
	s8 =	sadd.s32 s2, s8  }
0x138: {  	[tilespmem:s12], [sflag:$0x2] =	stream.strided.gather [hbm4b:s8+s14], $0x8000, s16, s14, $0x38;
	[tilespmem:$0x12080] =	vst v63  }
0x139: {  	s28 =	sor.u32 s23, s4;
	s23 =	sand.u32 $0xFF, s23;
	_ =	swait.ge [sflag:s19], $0x8000  }
0x13a: {  	s30 =	smin.u32 s23, $0x7F;
	[sflag:s19] =	ssyncset.done $0x0  }
0x13b: {  	s4 =	sshll.u32 s30, $0x4;
	[sflag:s19] =	ssyncadd.s32 $0xFFFF8000  }
0x13c: {  	v9 =	vld [tilespmem:s4+$0x1080];
	_ =	sdelay $0x4  }
0x13d: {  	v9 =	vperm.xlane v9, v8;
	_ =	sdelay $0x1  }
0x13e: {  	(v2sf) =	vpush v9, $0x0;
	_ =	sdelay $0xb  }
0x13f: {  	s31 =	sshll.u32 s0, $0x9  }
0x140: {  	s4 =	sadd.s32 s7, s31  }
0x141: {  	s25 =	smin.u32 s4, $0xF4080  }
0x142: {  	p0 =	sgt.u32 s23, $0x7F;
	s26 =	sadd.s32 $0x200, s25;
	s4 =	spop (v2sf)  }
0x143: {  	p1 =	sge.s32 @!p0 s4, s26  }
0x144: {  	p1 =	por p0, p1  }
.Ltmp7:
0x145: {  	_ = 	snop;
	(pc) =	sbr.rel @p1 .LBB2_30-.Ltmp7, $1  }
0x146: {  	_ =	sdelay $0x3  }
.Ltmp8:
0x147: {  	(pc) =	sbr.rel .LBB2_7-.Ltmp8, $4  }
0x148: {  	s0 =	sand.u32 $0x1, s0  }
0x149: {  	s0 =	sshll.u32 s0, $0xF  }
0x14a: {  	v9 =	vmov s25;
	v10 =	vmov s26;
	v11 =	vor.u32 s0, v3  }
0x14b: {  	v12 =	vor.u32 s0, v4;
	v13 =	vor.u32 s0, v6;
	v14 =	vor.u32 s0, v7  }
.LBB2_30:
.Ltmp9:
0x14c: {  	(pc) =	sbr.rel .LBB2_17-.Ltmp9, $2  }
0x14d: {  	_ =	sdelay $0x2  }
0x14e: {  	s28 =	smov.u32 @p0 s28;
	s23 =	smov.u32 @p0 s23  }
.LBB2_9:
0x14f: {  	_ = 	snop  }
.LBB2_14:
0x150: {  	[hbm4b:s12+s6] =	stream.linear.scatter @p0 [tilespmem:s8], [sflag:$0x3], $0x40, $0x38;
	[tilespmem:$0x12080] =	vst v63  }
0x151: {  	_ =	swait.ge [sflag:s20], $0x40  }
0x152: {  	[sflag:s20] =	ssyncset.done $0x0  }
0x153: {  	[sflag:s20] =	ssyncadd.s32 $0xFFFFFFC0  }
0x154: {  	v15 =	vld.idx.msk [tilespmem:v21+s1+$0x0], $0xffff  }
0x155: {  	s0 =	sand.u32 @p0 $0x3F, s0  }
0x156: {  	s28 =	smov.u32 @p0 s0  }
0x157: {  	s0 =	sshll.u32 s28, $0x6  }
0x158: {  	s0 =	sand.u32 $0x7C0, s0  }
0x159: {  	[tilespmem:s0+$0x11880] =	vst v15  }
0x15a: {  	v15 =	vld.idx.msk [tilespmem:v20+s1+$0x0], $0xffff  }
0x15b: {  	v16 =	vadd.s32 v17, v18;
	_ =	sdelay $0x3  }
0x15c: {  	[tilespmem:s0+$0x11890] =	vst v15  }
0x15d: {  	v15 =	vor.u32 v19, v14;
	v16 =	vld.idx.msk [tilespmem:v16+s1+$0x0], $0xffff  }
0x15e: {  	v15 =	vadd.s32 v17, v15;
	_ =	sdelay $0x3  }
0x15f: {  	[tilespmem:s0+$0x118A0] =	vst v16  }
0x160: {  	v15 =	vld.idx.msk [tilespmem:v15+s1+$0x0], $0xffff;
	_ =	sdelay $0x3  }
0x161: {  	s31 =	sadd.s32 $0x1, s28  }
0x162: {  	s30 =	sadd.s32 s5, s4;
	s28 =	sand.u32 $0x3F, s31;
	s29 =	sadd.s32 $0x11880, s0;
	[tilespmem:s0+$0x118B0] =	vst v15  }
0x163: {  	[hbm4b:s30+s6] =	stream.linear.scatter [tilespmem:s29], [sflag:$0x3], $0x40, $0x38;
	[tilespmem:$0x12080] =	vst v63  }
.LBB2_15:
0x164: {  	v15 =	vmpcnt.ones.xlane vm0;
	_ =	sdelay $0x1  }
0x165: {  	(v2sf) =	vpush v15, $0x0;
	_ =	sdelay $0xe  }
0x166: {  	s0 =	spop (v2sf)  }
0x167: {  	s4 =	sshll.u32 s28, $0x8;
	p0 =	seq.s32 s0, $0x10;
	s0 =	simm.s32 $0x1  }
0x168: {  	s4 =	sor.u32 s23, s4;
	s0 =	simm.s32 @!p0 $0x0  }
0x169: {  	s0 =	sadd.s32 s0, s4  }
0x16a: {  	s23 =	sand.u32 $0xFF, s0  }
0x16b: {  	s31 =	smin.u32 s23, $0x7F  }
0x16c: {  	s4 =	sshll.u32 s31, $0x4  }
0x16d: {  	v15 =	vld [tilespmem:s4+$0x1080];
	_ =	sdelay $0x4  }
0x16e: {  	v15 =	vperm.xlane v15, v8;
	_ =	sdelay $0x1  }
0x16f: {  	(v2sf) =	vpush v15, $0x0;
	_ =	sdelay $0x9  }
0x170: {  	s4 =	simm.s32 $0x0  }
0x171: {  	s4 =	simm.s32 @!p0 $0x4000  }
0x172: {  	s28 =	sadd.s32 s4, s0  }
0x173: {  	p0 =	sgt.u32 s28, $0x3FFF  }
0x174: {  	p1 =	sgt.u32 @!p0 s23, $0x7F  }
0x175: {  	p1 =	por p0, p1;
	s0 =	spop (v2sf)  }
0x176: {  	p2 =	slt.s32 @!p1 s0, s26  }
0x177: {  	p2 =	por p1, !p2  }
.Ltmp10:
0x178: {  	_ = 	snop;
	(pc) =	sbr.rel @p2 .LBB2_16-.Ltmp10, $1  }
0x179: {  	_ =	sdelay $0x3  }
.LBB2_7:
0x17a: {  	s0 =	sshll.u32 s28, $0x4  }
0x17b: {  	s4 =	sand.u32 $0x7F0, s0  }
0x17c: {  	v15 =	vld [tilespmem:s4+$0x1080];
	_ =	sdelay $0x4  }
0x17d: {  	vm1 =	vge.s32 v15, v9;
	vm0 =	vlt.s32 v15, v10;
	vm2 =	vlt.s32 v15, v9  }
0x17e: {  	vm1 =	vmand vm1, vm0;
	v16 =	vmpcnt.ones.xlane vm2  }
0x17f: {  	v17 =	vmpcnt.ones.xlane vm1  }
0x180: {  	(v2sf) =	vpush v16, $0x0  }
0x181: {  	(v2sf) =	vpush v17, $0x0;
	_ =	sdelay $0xd  }
0x182: {  	s29 =	spop (v2sf)  }
0x183: {  	s0 =	spop (v2sf)  }
0x184: {  	p0 =	slt.s32 s0, $0x1  }
.Ltmp11:
0x185: {  	_ = 	snop;
	(pc) =	sbr.rel @p0 .LBB2_15-.Ltmp11, $2  }
0x186: {  	_ =	sdelay $0x2  }
0x187: {  	s28 =	sshrl.u32 s28, $0x8;
	v16 =	vld [tilespmem:s4+$0x880]  }
0x188: {  	v17 =	vmov s29  }
0x189: {  	v17 =	vshrl.u32 v17, $0x1B  }
0x18a: {  	v17 =	vand.u32 $0x10, v17  }
0x18b: {  	v17 =	vadd.s32 s29, v17  }
0x18c: {  	v18 =	vperm.xlane v15, v17;
	_ =	sdelay $0x1  }
0x18d: {  	(v2sf) =	vpush v18, $0x0  }
0x18e: {  	v17 =	vperm.xlane v16, v17;
	_ =	sdelay $0x1  }
0x18f: {  	(v2sf) =	vpush v17, $0x0;
	_ =	sdelay $0xb  }
0x190: {  	p1 =	sne.s32 s0, $0x1;
	s4 =	spop (v2sf)  }
.Ltmp12:
0x191: {  	s4 =	ssub.s32 s4, s25;
	(pc) =	sbr.rel @!p1 .LBB2_9-.Ltmp12, $4  }
0x192: {  	v17 =	vmov s4  }
0x193: {  	s31 =	spop (v2sf);
	v19 =	vand.u32 $0x7F, v17;
	v17 =	vshll.u32 v17, $0x3  }
0x194: {  	s4 =	sshll.u32 s31, $0x3;
	v17 =	vand.u32 $0xFFFFFC00, v17;
	v18 =	vor.u32 v19, v11;
	v20 =	vor.u32 v19, v12  }
0x195: {  	s0 =	sadd.s32 $0xFFFFFFFF, s0;
	p0 =	por $0x0, $0x0;
	s4 =	sand.u32 $0x1FFFFFF8, s4;
	v21 =	vadd.s32 v17, v18;
	v20 =	vadd.s32 v17, v20;
	v18 =	vor.u32 v19, v13  }
0x196: {  	s29 =	sadd.s32 $0x1, s29  }
0x197: {  	_ =	swait.ge [sflag:s20], $0x40;
	v22 =	vmov s29  }
0x198: {  	[sflag:s20] =	ssyncset.done $0x0;
	v22 =	vshrl.u32 v22, $0x1B  }
0x199: {  	[sflag:s20] =	ssyncadd.s32 $0xFFFFFFC0;
	v22 =	vand.u32 $0x10, v22  }
0x19a: {  	v21 =	vld.idx.msk [tilespmem:v21+s1+$0x0], $0xffff;
	v22 =	vadd.s32 s29, v22  }
0x19b: {  	v23 =	vperm.xlane v15, v22;
	_ =	sdelay $0x1  }
0x19c: {  	s8 =	sshll.u32 s28, $0x6;
	(v2sf) =	vpush v23, $0x0  }
0x19d: {  	s12 =	sand.u32 $0x7C0, s8;
	v22 =	vperm.xlane v16, v22  }
0x19e: {  	[tilespmem:s12+$0x11880] =	vst v21  }
0x19f: {  	(v2sf) =	vpush v22, $0x0;
	v20 =	vld.idx.msk [tilespmem:v20+s1+$0x0], $0xffff  }
0x1a0: {  	v18 =	vadd.s32 v17, v18;
	_ =	sdelay $0x3  }
0x1a1: {  	[tilespmem:s12+$0x11890] =	vst v20  }
0x1a2: {  	v19 =	vor.u32 v19, v14;
	v18 =	vld.idx.msk [tilespmem:v18+s1+$0x0], $0xffff  }
0x1a3: {  	v17 =	vadd.s32 v17, v19;
	_ =	sdelay $0x3  }
0x1a4: {  	[tilespmem:s12+$0x118A0] =	vst v18  }
0x1a5: {  	p1 =	sne.s32 s0, $0x1;
	v22 =	vld.idx.msk [tilespmem:v17+s1+$0x0], $0xffff;
	s8 =	spop (v2sf)  }
.Ltmp13:
0x1a6: {  	s8 =	ssub.s32 s8, s25;
	(pc) =	sbr.rel @!p1 .LBB2_11-.Ltmp13, $4  }
0x1a7: {  	v17 =	vmov s8  }
0x1a8: {  	p0 =	por $0x1, $0x1;
	s30 =	spop (v2sf);
	v19 =	vand.u32 $0x7F, v17;
	v17 =	vshll.u32 v17, $0x3  }
0x1a9: {  	s8 =	sshll.u32 s30, $0x3;
	s30 =	sadd.s32 $0xFFFFFFFF, s0;
	s0 =	sadd.s32 $0x1, s28;
	v17 =	vand.u32 $0xFFFFFC00, v17;
	v18 =	vor.u32 v19, v11;
	v20 =	vor.u32 v19, v12  }
0x1aa: {  	s31 =	sand.u32 $0x1FFFFFF8, s8;
	s8 =	sadd.s32 $0x11880, s12;
	[tilespmem:s12+$0x118B0] =	vst v22;
	s12 =	sadd.s32 s5, s4;
	v21 =	vadd.s32 v17, v18;
	v20 =	vadd.s32 v17, v20;
	v18 =	vor.u32 v19, v13  }
.LBB2_12:
0x1ab: {  	v19 =	vor.u32 v19, v14;
	[hbm4b:s12+s6] =	stream.linear.scatter [tilespmem:s8], [sflag:$0x3], $0x40, $0x38;
	[tilespmem:$0x12080] =	vst v63  }
0x1ac: {  	p1 =	sne.s32 s30, $0x1;
	s0 =	sand.u32 $0x3F, s0;
	_ =	swait.ge [sflag:s20], $0x40;
	v19 =	vadd.s32 v17, v19  }
0x1ad: {  	s30 =	sadd.s32 $0xFFFFFFFF, s30;
	s4 =	smov.u32 s31;
	[sflag:s20] =	ssyncset.done $0x0  }
0x1ae: {  	[sflag:s20] =	ssyncadd.s32 $0xFFFFFFC0  }
0x1af: {  	s29 =	sadd.s32 $0x1, s29;
	v21 =	vld.idx.msk [tilespmem:v21+s1+$0x0], $0xffff  }
0x1b0: {  	v22 =	vmov s29  }
0x1b1: {  	v22 =	vshrl.u32 v22, $0x1B  }
0x1b2: {  	v22 =	vand.u32 $0x10, v22  }
0x1b3: {  	s8 =	sshll.u32 s0, $0x6;
	v22 =	vadd.s32 s29, v22  }
0x1b4: {  	s12 =	sand.u32 $0x7C0, s8;
	v23 =	vperm.xlane v15, v22;
	v22 =	vperm.xlane v16, v22  }
0x1b5: {  	[tilespmem:s12+$0x11880] =	vst v21  }
0x1b6: {  	(v2sf) =	vpush v23, $0x0;
	v20 =	vld.idx.msk [tilespmem:v20+s1+$0x0], $0xffff  }
0x1b7: {  	(v2sf) =	vpush v22, $0x0  }
0x1b8: {  	v17 =	vadd.s32 v17, v18;
	_ =	sdelay $0x3  }
0x1b9: {  	[tilespmem:s12+$0x11890] =	vst v20  }
0x1ba: {  	v17 =	vld.idx.msk [tilespmem:v17+s1+$0x0], $0xffff;
	_ =	sdelay $0x5  }
0x1bb: {  	[tilespmem:s12+$0x118A0] =	vst v17  }
0x1bc: {  	v22 =	vld.idx.msk [tilespmem:v19+s1+$0x0], $0xffff  }
0x1bd: {  	s8 =	spop (v2sf)  }
.Ltmp14:
0x1be: {  	s8 =	ssub.s32 s8, s25;
	s31 =	spop (v2sf);
	(pc) =	sbr.rel @p1 .LBB2_12-.Ltmp14, $4  }
0x1bf: {  	v17 =	vmov s8;
	s8 =	sshll.u32 s31, $0x3  }
0x1c0: {  	v19 =	vand.u32 $0x7F, v17;
	v17 =	vshll.u32 v17, $0x3;
	s31 =	sand.u32 $0x1FFFFFF8, s8  }
0x1c1: {  	v17 =	vand.u32 $0xFFFFFC00, v17;
	v18 =	vor.u32 v19, v11;
	v20 =	vor.u32 v19, v12  }
0x1c2: {  	s0 =	sadd.s32 $0x1, s0;
	s8 =	sadd.s32 $0x11880, s12;
	v21 =	vadd.s32 v17, v18;
	v20 =	vadd.s32 v17, v20;
	v18 =	vor.u32 v19, v13;
	[tilespmem:s12+$0x118B0] =	vst v22;
	s12 =	sadd.s32 s5, s4  }
.Ltmp15:
0x1c3: {  	(pc) =	sbr.rel .LBB2_14-.Ltmp15, $2  }
0x1c4: {  	_ =	sdelay $0x2  }
0x1c5: {  	s4 =	smov.u32 s31  }
.LBB2_11:
.Ltmp16:
0x1c6: {  	(pc) =	sbr.rel .LBB2_14-.Ltmp16, $2  }
0x1c7: {  	_ =	sdelay $0x2  }
0x1c8: {  	s4 =	smov.u32 s31  }
.LBB2_18:
0x1c9: {  	_ =	swait.ge [sflag:s19], $0x8000;
	s23 =	sand.u32 $0xFF, s28  }
0x1ca: {  	[sflag:s19] =	ssyncset.done $0x0;
	s0 =	smin.u32 s23, $0x7F  }
0x1cb: {  	[sflag:s19] =	ssyncadd.s32 $0xFFFF8000;
	s0 =	sshll.u32 s0, $0x4  }
0x1cc: {  	v9 =	vld [tilespmem:s0+$0x1080];
	_ =	sdelay $0x4  }
0x1cd: {  	v9 =	vperm.xlane v9, v8;
	_ =	sdelay $0x1  }
0x1ce: {  	(v2sf) =	vpush v9, $0x0;
	_ =	sdelay $0xe  }
0x1cf: {  	p0 =	sgt.u32 s23, $0x7F;
	s0 =	spop (v2sf)  }
0x1d0: {  	p1 =	sge.s32 @!p0 s0, s13  }
0x1d1: {  	p0 =	por p0, p1  }
.Ltmp17:
0x1d2: {  	_ = 	snop;
	(pc) =	sbr.rel @p0 .LBB2_29-.Ltmp17, $1  }
0x1d3: {  	_ =	sdelay $0x3  }
.Ltmp18:
0x1d4: {  	(pc) =	sbr.rel .LBB2_20-.Ltmp18, $2  }
0x1d5: {  	_ =	sdelay $0x2  }
0x1d6: {  	s0 =	sand.u32 $0x3FFF, s28  }
.LBB2_22:
0x1d7: {  	_ = 	snop  }
.LBB2_27:
0x1d8: {  	[hbm4b:s12+s6] =	stream.linear.scatter @p0 [tilespmem:s8], [sflag:$0x3], $0x40, $0x38;
	[tilespmem:$0x12080] =	vst v63  }
0x1d9: {  	_ =	swait.ge [sflag:s20], $0x40  }
0x1da: {  	[sflag:s20] =	ssyncset.done $0x0  }
0x1db: {  	[sflag:s20] =	ssyncadd.s32 $0xFFFFFFC0  }
0x1dc: {  	v9 =	vld.idx.msk [tilespmem:v12+s1+$0x0], $0xffff  }
0x1dd: {  	s0 =	sand.u32 @p0 $0x3F, s4;
	v10 =	vadd.s32 v4, v11  }
0x1de: {  	s24 =	smov.u32 @p0 s0  }
0x1df: {  	s0 =	sshll.u32 s24, $0x6  }
0x1e0: {  	s0 =	sand.u32 $0x7C0, s0  }
0x1e1: {  	[tilespmem:s0+$0x11880] =	vst v9  }
0x1e2: {  	v9 =	vld.idx.msk [tilespmem:v10+s1+$0x0], $0xffff  }
0x1e3: {  	v10 =	vadd.s32 v6, v11;
	_ =	sdelay $0x3  }
0x1e4: {  	[tilespmem:s0+$0x11890] =	vst v9  }
0x1e5: {  	v9 =	vld.idx.msk [tilespmem:v10+s1+$0x0], $0xffff  }
0x1e6: {  	v10 =	vadd.s32 v7, v11;
	_ =	sdelay $0x3  }
0x1e7: {  	[tilespmem:s0+$0x118A0] =	vst v9  }
0x1e8: {  	v9 =	vld.idx.msk [tilespmem:v10+s1+$0x0], $0xffff;
	_ =	sdelay $0x3  }
0x1e9: {  	s31 =	sadd.s32 $0x1, s24  }
0x1ea: {  	s30 =	sadd.s32 s5, s28;
	s24 =	sand.u32 $0x3F, s31;
	s29 =	sadd.s32 $0x11880, s0;
	[tilespmem:s0+$0x118B0] =	vst v9  }
0x1eb: {  	[hbm4b:s30+s6] =	stream.linear.scatter [tilespmem:s29], [sflag:$0x3], $0x40, $0x38;
	[tilespmem:$0x12080] =	vst v63  }
.LBB2_28:
0x1ec: {  	v9 =	vmpcnt.ones.xlane vm0;
	_ =	sdelay $0x1  }
0x1ed: {  	(v2sf) =	vpush v9, $0x0;
	_ =	sdelay $0xe  }
0x1ee: {  	s0 =	spop (v2sf)  }
0x1ef: {  	s4 =	sshll.u32 s24, $0x8;
	p0 =	seq.s32 s0, $0x10;
	s0 =	simm.s32 $0x1  }
0x1f0: {  	s4 =	sor.u32 s23, s4;
	s0 =	simm.s32 @!p0 $0x0  }
0x1f1: {  	s0 =	sadd.s32 s0, s4  }
0x1f2: {  	s23 =	sand.u32 $0xFF, s0  }
0x1f3: {  	s31 =	smin.u32 s23, $0x7F  }
0x1f4: {  	s4 =	sshll.u32 s31, $0x4  }
0x1f5: {  	v9 =	vld [tilespmem:s4+$0x1080];
	_ =	sdelay $0x4  }
0x1f6: {  	v9 =	vperm.xlane v9, v8;
	_ =	sdelay $0x1  }
0x1f7: {  	(v2sf) =	vpush v9, $0x0;
	_ =	sdelay $0x9  }
0x1f8: {  	s4 =	simm.s32 $0x0  }
0x1f9: {  	s4 =	simm.s32 @!p0 $0x4000  }
0x1fa: {  	s0 =	sadd.s32 s4, s0  }
0x1fb: {  	p0 =	sgt.u32 s0, $0x3FFF  }
0x1fc: {  	p1 =	sgt.u32 @!p0 s23, $0x7F  }
0x1fd: {  	p0 =	por p0, p1;
	s4 =	spop (v2sf)  }
0x1fe: {  	p1 =	slt.s32 @!p0 s4, s13  }
0x1ff: {  	p0 =	por p0, !p1  }
.Ltmp19:
0x200: {  	_ = 	snop;
	(pc) =	sbr.rel @p0 .LBB2_29-.Ltmp19, $1  }
0x201: {  	_ =	sdelay $0x3  }
.LBB2_20:
0x202: {  	s4 =	sshll.u32 s0, $0x4  }
0x203: {  	s12 =	sand.u32 $0x7F0, s4  }
0x204: {  	v9 =	vld [tilespmem:s12+$0x1080];
	_ =	sdelay $0x4  }
0x205: {  	vm1 =	vge.s32 v9, v2;
	vm0 =	vlt.s32 v9, v5;
	vm2 =	vlt.s32 v9, v2  }
0x206: {  	vm1 =	vmand vm1, vm0;
	v10 =	vmpcnt.ones.xlane vm2  }
0x207: {  	v11 =	vmpcnt.ones.xlane vm1  }
0x208: {  	(v2sf) =	vpush v10, $0x0  }
0x209: {  	(v2sf) =	vpush v11, $0x0;
	_ =	sdelay $0xd  }
0x20a: {  	s4 =	spop (v2sf)  }
0x20b: {  	s8 =	spop (v2sf)  }
0x20c: {  	p0 =	slt.s32 s8, $0x1  }
.Ltmp20:
0x20d: {  	_ = 	snop;
	(pc) =	sbr.rel @p0 .LBB2_28-.Ltmp20, $2  }
0x20e: {  	_ =	sdelay $0x2  }
0x20f: {  	s24 =	sshrl.u32 s0, $0x8;
	v10 =	vld [tilespmem:s12+$0x880]  }
0x210: {  	v11 =	vmov s4  }
0x211: {  	v11 =	vshrl.u32 v11, $0x1B  }
0x212: {  	v11 =	vand.u32 $0x10, v11  }
0x213: {  	v11 =	vadd.s32 s4, v11  }
0x214: {  	v12 =	vperm.xlane v9, v11;
	_ =	sdelay $0x1  }
0x215: {  	(v2sf) =	vpush v12, $0x0;
	_ =	sdelay $0x1  }
0x216: {  	v11 =	vperm.xlane v10, v11;
	_ =	sdelay $0x1  }
0x217: {  	(v2sf) =	vpush v11, $0x0;
	_ =	sdelay $0xa  }
0x218: {  	s0 =	spop (v2sf)  }
0x219: {  	p1 =	sne.s32 s8, $0x1;
	s0 =	ssub.s32 s0, s10  }
.Ltmp21:
0x21a: {  	v11 =	vmov s0;
	(pc) =	sbr.rel @!p1 .LBB2_22-.Ltmp21, $4  }
0x21b: {  	v12 =	vshll.u32 v11, $0x3  }
0x21c: {  	s31 =	spop (v2sf);
	v11 =	vand.u32 $0x7F, v11;
	v12 =	vand.u32 $0xFFFFFC00, v12  }
0x21d: {  	s12 =	sshll.u32 s31, $0x3;
	v11 =	vor.u32 v11, v12  }
0x21e: {  	p0 =	por $0x0, $0x0;
	s0 =	sadd.s32 $0xFFFFFFFF, s8;
	s28 =	sand.u32 $0x1FFFFFF8, s12;
	v12 =	vadd.s32 v3, v11  }
0x21f: {  	s25 =	sadd.s32 $0x1, s4  }
0x220: {  	v13 =	vmov s25  }
0x221: {  	_ =	swait.ge [sflag:s20], $0x40;
	v13 =	vshrl.u32 v13, $0x1B  }
0x222: {  	[sflag:s20] =	ssyncset.done $0x0;
	v13 =	vand.u32 $0x10, v13  }
0x223: {  	[sflag:s20] =	ssyncadd.s32 $0xFFFFFFC0;
	v13 =	vadd.s32 s25, v13  }
0x224: {  	v12 =	vld.idx.msk [tilespmem:v12+s1+$0x0], $0xffff;
	v14 =	vperm.xlane v9, v13  }
0x225: {  	v15 =	vadd.s32 v4, v11  }
0x226: {  	(v2sf) =	vpush v14, $0x0  }
0x227: {  	s30 =	sshll.u32 s24, $0x6  }
0x228: {  	s4 =	sand.u32 $0x7C0, s30;
	v13 =	vperm.xlane v10, v13  }
0x229: {  	[tilespmem:s4+$0x11880] =	vst v12  }
0x22a: {  	(v2sf) =	vpush v13, $0x0;
	v12 =	vld.idx.msk [tilespmem:v15+s1+$0x0], $0xffff  }
0x22b: {  	v13 =	vadd.s32 v6, v11;
	_ =	sdelay $0x3  }
0x22c: {  	[tilespmem:s4+$0x11890] =	vst v12  }
0x22d: {  	v12 =	vld.idx.msk [tilespmem:v13+s1+$0x0], $0xffff  }
0x22e: {  	v11 =	vadd.s32 v7, v11;
	_ =	sdelay $0x3  }
0x22f: {  	[tilespmem:s4+$0x118A0] =	vst v12;
	s8 =	spop (v2sf)  }
0x230: {  	p1 =	sne.s32 s0, $0x1;
	v13 =	vld.idx.msk [tilespmem:v11+s1+$0x0], $0xffff;
	s8 =	ssub.s32 s8, s10  }
.Ltmp22:
0x231: {  	v11 =	vmov s8;
	(pc) =	sbr.rel @!p1 .LBB2_24-.Ltmp22, $4  }
0x232: {  	v12 =	vshll.u32 v11, $0x3  }
0x233: {  	s26 =	sadd.s32 $0xFFFFFFFF, s0;
	s31 =	spop (v2sf);
	v11 =	vand.u32 $0x7F, v11;
	v12 =	vand.u32 $0xFFFFFC00, v12  }
0x234: {  	s12 =	sadd.s32 s5, s28;
	p0 =	por $0x1, $0x1;
	s8 =	sshll.u32 s31, $0x3;
	v11 =	vor.u32 v11, v12  }
0x235: {  	s0 =	sand.u32 $0x1FFFFFF8, s8;
	s8 =	sadd.s32 $0x11880, s4;
	[tilespmem:s4+$0x118B0] =	vst v13;
	s4 =	sadd.s32 $0x1, s24;
	v12 =	vadd.s32 v3, v11  }
.LBB2_25:
0x236: {  	[hbm4b:s12+s6] =	stream.linear.scatter [tilespmem:s8], [sflag:$0x3], $0x40, $0x38;
	[tilespmem:$0x12080] =	vst v63  }
0x237: {  	p1 =	sne.s32 s26, $0x1;
	s28 =	sand.u32 $0x3F, s4;
	_ =	swait.ge [sflag:s20], $0x40  }
0x238: {  	s26 =	sadd.s32 $0xFFFFFFFF, s26;
	s4 =	smov.u32 s0;
	[sflag:s20] =	ssyncset.done $0x0  }
0x239: {  	s25 =	sadd.s32 $0x1, s25;
	[sflag:s20] =	ssyncadd.s32 $0xFFFFFFC0  }
0x23a: {  	v13 =	vmov s25;
	v12 =	vld.idx.msk [tilespmem:v12+s1+$0x0], $0xffff  }
0x23b: {  	v13 =	vshrl.u32 v13, $0x1B  }
0x23c: {  	v14 =	vadd.s32 v4, v11;
	v13 =	vand.u32 $0x10, v13  }
0x23d: {  	v13 =	vadd.s32 s25, v13  }
0x23e: {  	s0 =	sshll.u32 s28, $0x6;
	v15 =	vperm.xlane v9, v13;
	v13 =	vperm.xlane v10, v13  }
0x23f: {  	s12 =	sand.u32 $0x7C0, s0  }
0x240: {  	(v2sf) =	vpush v15, $0x0;
	[tilespmem:s12+$0x11880] =	vst v12  }
0x241: {  	(v2sf) =	vpush v13, $0x0;
	v12 =	vld.idx.msk [tilespmem:v14+s1+$0x0], $0xffff;
	_ =	sdelay $0x1  }
0x242: {  	v13 =	vadd.s32 v6, v11;
	_ =	sdelay $0x3  }
0x243: {  	[tilespmem:s12+$0x11890] =	vst v12  }
0x244: {  	v12 =	vld.idx.msk [tilespmem:v13+s1+$0x0], $0xffff;
	_ =	sdelay $0x1  }
0x245: {  	v11 =	vadd.s32 v7, v11;
	_ =	sdelay $0x3  }
0x246: {  	[tilespmem:s12+$0x118A0] =	vst v12  }
0x247: {  	s0 =	spop (v2sf);
	v13 =	vld.idx.msk [tilespmem:v11+s1+$0x0], $0xffff  }
0x248: {  	s0 =	ssub.s32 s0, s10;
	s8 =	spop (v2sf)  }
.Ltmp23:
0x249: {  	v11 =	vmov s0;
	s0 =	sshll.u32 s8, $0x3;
	(pc) =	sbr.rel @p1 .LBB2_25-.Ltmp23, $4  }
0x24a: {  	v12 =	vshll.u32 v11, $0x3;
	s0 =	sand.u32 $0x1FFFFFF8, s0  }
0x24b: {  	v11 =	vand.u32 $0x7F, v11;
	v12 =	vand.u32 $0xFFFFFC00, v12  }
0x24c: {  	v11 =	vor.u32 v11, v12  }
0x24d: {  	s8 =	sadd.s32 $0x11880, s12;
	v12 =	vadd.s32 v3, v11;
	[tilespmem:s12+$0x118B0] =	vst v13;
	s12 =	sadd.s32 s5, s4;
	s4 =	sadd.s32 $0x1, s28  }
.Ltmp24:
0x24e: {  	(pc) =	sbr.rel .LBB2_27-.Ltmp24, $2  }
0x24f: {  	_ =	sdelay $0x2  }
0x250: {  	s28 =	smov.u32 s0  }
.LBB2_24:
.Ltmp25:
0x251: {  	(pc) =	sbr.rel .LBB2_27-.Ltmp25, $2  }
0x252: {  	_ =	sdelay $0x2  }
0x253: {  	s28 =	smov.u32 s0  }
.LBB2_3:
0x254: {  	_ =	sfence.sel $0x180000  }
0x255: {  	[bflag:$0x0] =	sbarrier.arrive $0xFFFF  }
0x256: {  	_ =	strace $0x90000047  }
0x257: {  	s0 =	stileid.u32;
	[bflag:$0x2] =	sbarrier.arrive $0xFFFF  }
0x258: {  	p0 =	sne.s32 s0, $0x0;
	s0 =	rddreg [dreg:$0x4]  }
0x259: {  	s0 =	sadd.s32 @!p0 $0x100000, s0  }
0x25a: {  	[sflag:s0] =	ssyncadd.tile.s32 @!p0 $0x1;
	_ =	shalt  }
.Lfunc_end2:
_tile_overlayer_lowered:
.L_overlay_start_2:
0x25b: {  	(tag) =	ssettag $0x2  }
0x25c: {  	s0 =	rddreg [dreg:$0x0];
	s2 =	stileid.u32  }
0x25d: {  	s1 =	rddreg [dreg:$0x1];
	p0 =	sne.s32 s2, $0x0  }
0x25e: {  	s3 =	rddreg [dreg:$0x2];
	[bflag:$0x3] =	sbarrier.arrive $0xFFFF;
	s2 =	simm.s32 @!p0 $0x1C04  }
0x25f: {  	[timem:s3], [sflag:s2] =	dma.local @!p0 [hbm:s0], s1  }
0x260: {  	s0 =	simm.s32 @!p0 $0x4  }
0x261: {  	_ =	swait.ge @!p0 [sflag:s0], s1  }
0x262: {  	s1 =	ssub.s32 @!p0 $0x0, s1;
	[sflag:s0] =	ssyncset.done @!p0 $0x0  }
0x263: {  	[sflag:s0] =	ssyncadd.s32 @!p0 s1  }
0x264: {  	[bflag:$0x3] =	sbarrier.arrive $0xFFFF  }
0x265: {  	_ =	shalt  }

</sc_bundles>
